<compile_context>
chip_gen: v7x
topology: tpu7x:2x2x1
jax: 0.10.2.dev20260603
libtpu: 0.0.44.dev20260713+nightly
codegen_flags: <defaults>
</compile_context>

<pallas_src>
import functools

import jax
import jax.numpy as jnp
from jax import lax
from jax.experimental import pallas as pl
from jax.experimental.pallas import tpu as pltpu
from jax.experimental.pallas import tpu_sc as plsc

_NCLS = 13
_NPTS = 65536
_DF = 256

_NC = 2
_NS = 16
_NW = _NC * _NS
_C = 128
_SC_ROWS = 32768
_RPW = _SC_ROWS // _NW
_NCHUNK = _RPW // _C

_CPAD = 16
_R = 2048
_TC_ROWS = _NPTS - _SC_ROWS
_TC_NBLK = _TC_ROWS // _R
_TC_BLK0 = _SC_ROWS // _R


def _sc_body(feat_hbm, lab_hbm, sumf_out, aux_out,
             fbuf, lbuf, af0, ax0,
             labsm, bucket, cnt, off, pos,
             fsem, lsem):
    c = lax.axis_index("c")
    s = lax.axis_index("s")
    wid = s * _NC + c
    row0 = wid * _RPW
    zeros16 = jnp.zeros((16,), jnp.float32)

    def _zrow(r, carry):
        for k in range(16):
            af0[r, pl.ds(16 * k, 16)] = zeros16
        ax0[r, pl.ds(0, 16)] = zeros16
        ax0[r, pl.ds(16, 16)] = zeros16
        return carry
    lax.fori_loop(0, 16, _zrow, 0)

    def _start(g):
        p = g % 2
        base = row0 + g * _C
        pltpu.async_copy(feat_hbm.at[pl.ds(base, _C)], fbuf.at[p], fsem.at[p])
        pltpu.async_copy(lab_hbm.at[pl.ds(base, _C)], lbuf.at[p], lsem.at[p])

    def _compute(p):
        pltpu.make_async_copy(
            lab_hbm.at[pl.ds(0, _C)], lbuf.at[p], lsem.at[p]).wait()

        def _zc(ci, carry):
            cnt[ci] = 0
            return carry
        lax.fori_loop(0, _NCLS, _zc, 0)

        def _ext(g2, carry):
            labs = lbuf[p, pl.ds(16 * g2, 16)]
            for j in range(16):
                l = labs[j]
                labsm[16 * g2 + j] = l
                cnt[l] = cnt[l] + 1
            return carry
        lax.fori_loop(0, _C // 16, _ext, 0)

        def _offs(ci, acc):
            off[ci] = acc
            pos[ci] = acc
            return acc + cnt[ci]
        lax.fori_loop(0, _NCLS, _offs, 0)

        def _place(r, carry):
            l = labsm[r]
            p = pos[l]
            bucket[p] = r
            pos[l] = p + 1
            return carry
        lax.fori_loop(0, _C, _place, 0)

        pltpu.make_async_copy(
            feat_hbm.at[pl.ds(0, _C)], fbuf.at[p], fsem.at[p]).wait()

        def _cls(ci, carry):
            n = cnt[ci]
            o = off[ci]

            def _rows(i, accs):
                r = bucket[o + i]
                vs = [fbuf[p, r, pl.ds(16 * k, 16)] for k in range(16)]
                new = tuple(accs[k] + vs[k] for k in range(16))
                sq = list(accs[16:])
                for k in range(16):
                    sq[k % 4] = sq[k % 4] + vs[k] * vs[k]
                return new + tuple(sq)

            init = tuple(zeros16 for _ in range(20))
            accs = lax.fori_loop(0, n, _rows, init)
            for k in range(16):
                cur = af0[ci, pl.ds(16 * k, 16)]
                af0[ci, pl.ds(16 * k, 16)] = cur + accs[k]
            sq = ((accs[16] + accs[17]) + (accs[18] + accs[19]))
            c0 = ax0[ci, pl.ds(0, 16)]
            ax0[ci, pl.ds(0, 16)] = c0 + sq
            nf = n.astype(jnp.float32)
            c1 = ax0[ci, pl.ds(16, 16)]
            ax0[ci, pl.ds(16, 16)] = c1 + (zeros16 + nf)
            return carry
        lax.fori_loop(0, _NCLS, _cls, 0)

    _start(0)
    _start(1)

    def _iter(g, carry):
        _compute(g % 2)

        @pl.when(g + 2 < _NCHUNK)
        def _n0():
            _start(g + 2)
        return carry
    lax.fori_loop(0, _NCHUNK, _iter, 0)

    pltpu.sync_copy(af0, sumf_out.at[wid])
    pltpu.sync_copy(ax0, aux_out.at[wid])


def _sc_call(features, labels):
    mesh = plsc.VectorSubcoreMesh(core_axis_name="c", subcore_axis_name="s")
    f = functools.partial(
        pl.kernel,
        out_type=[
            jax.ShapeDtypeStruct((_NW, 16, _DF), jnp.float32),
            jax.ShapeDtypeStruct((_NW, 16, 32), jnp.float32),
        ],
        mesh=mesh,
        scratch_types=[
            pltpu.VMEM((2, _C, _DF), jnp.float32),
            pltpu.VMEM((2, _C), jnp.int32),
            pltpu.VMEM((16, _DF), jnp.float32),
            pltpu.VMEM((16, 32), jnp.float32),
            pltpu.SMEM((_C,), jnp.int32),
            pltpu.SMEM((_C,), jnp.int32),
            pltpu.SMEM((16,), jnp.int32),
            pltpu.SMEM((16,), jnp.int32),
            pltpu.SMEM((16,), jnp.int32),
            pltpu.SemaphoreType.DMA((2,)),
            pltpu.SemaphoreType.DMA((2,)),
        ],
    )(_sc_body)
    return f(features, labels)


def _tc_body(lab_ref, x_ref, sumf_ref, aux_ref, acc_f, acc_a):
    i = pl.program_id(0)
    x = x_ref[...]
    lab = lab_ref[0]
    cls = lax.broadcasted_iota(jnp.int32, (_CPAD, _R), 0)
    oh = (cls == lab).astype(jnp.float32)
    rowsq = jnp.sum(x * x, axis=1, keepdims=True)
    colid = lax.broadcasted_iota(jnp.int32, (_R, 128), 1)
    aux = jnp.where(colid == 0, rowsq,
                    jnp.where(colid == 1, 1.0, 0.0))
    pf = lax.dot(oh, x, precision=lax.Precision.HIGHEST,
                 preferred_element_type=jnp.float32)
    pa = lax.dot(oh, aux, precision=lax.Precision.HIGHEST,
                 preferred_element_type=jnp.float32)

    @pl.when(i == 0)
    def _init():
        acc_f[...] = pf
        acc_a[...] = pa

    @pl.when(i > 0)
    def _accum():
        acc_f[...] += pf
        acc_a[...] += pa

    @pl.when(i == pl.num_programs(0) - 1)
    def _finish():
        sumf_ref[...] = acc_f[...]
        aux_ref[...] = acc_a[...]


def _tc_call(features, labels3):
    return pl.pallas_call(
        _tc_body,
        grid=(_TC_NBLK,),
        in_specs=[
            pl.BlockSpec((1, 1, _R), lambda i: (i + _TC_BLK0, 0, 0)),
            pl.BlockSpec((_R, _DF), lambda i: (i + _TC_BLK0, 0)),
        ],
        out_specs=[
            pl.BlockSpec((_CPAD, _DF), lambda i: (0, 0)),
            pl.BlockSpec((_CPAD, 128), lambda i: (0, 0)),
        ],
        out_shape=[
            jax.ShapeDtypeStruct((_CPAD, _DF), jnp.float32),
            jax.ShapeDtypeStruct((_CPAD, 128), jnp.float32),
        ],
        scratch_shapes=[
            pltpu.VMEM((_CPAD, _DF), jnp.float32),
            pltpu.VMEM((_CPAD, 128), jnp.float32),
        ],
    )(labels3, features)


def _epi_body(sc_sumf_ref, sc_aux_ref, tc_sumf_ref, tc_aux_ref, out_ref):
    sf = tc_sumf_ref[...]
    aux = sc_aux_ref[0]
    for w in range(1, _NW):
        aux = aux + sc_aux_ref[w]
    for w in range(_NW):
        sf = sf + sc_sumf_ref[w]
    taux = tc_aux_ref[...]
    tcol = lax.broadcasted_iota(jnp.int32, (_CPAD, 128), 1)
    col = lax.broadcasted_iota(jnp.int32, (16, 32), 1)
    sumsq = (jnp.sum(jnp.where(col < 16, aux, 0.0), axis=1, keepdims=True)
             + jnp.sum(jnp.where(tcol == 0, taux, 0.0), axis=1, keepdims=True))
    counts = (jnp.sum(jnp.where(col >= 16, aux, 0.0), axis=1, keepdims=True) / 16.0
              + jnp.sum(jnp.where(tcol == 1, taux, 0.0), axis=1, keepdims=True))
    safe = jnp.maximum(counts, 1.0)
    nrm = jnp.sum(sf * sf, axis=1, keepdims=True)
    var = (sumsq - nrm / safe) / safe
    rid = lax.broadcasted_iota(jnp.int32, (16, 1), 0)
    valid = (counts > 1.0) & (rid < _NCLS)
    vc = jnp.sum(jnp.where(valid, 1.0, 0.0), axis=(0, 1), keepdims=True)
    loss = jnp.sum(jnp.where(valid, var, 0.0), axis=(0, 1), keepdims=True)
    loss = jnp.where(vc > 0, loss / jnp.maximum(vc, 1.0), 0.0)
    out_ref[...] = loss


def kernel(features, labels):
    labels3 = labels.reshape(_NPTS // _R, 1, _R)
    sc_sumf, sc_aux = _sc_call(features, labels)
    tc_sumf, tc_aux = _tc_call(features, labels3)
    out = pl.pallas_call(
        _epi_body,
        out_shape=jax.ShapeDtypeStruct((1, 1), jnp.float32),
    )(sc_sumf, sc_aux, tc_sumf, tc_aux)
    return out[0, 0]

# --- scband reference (transcript-rebuilt; emitter-appended) ---
"""Pipeline reference for scband-spgloss-4776003633407 (READ-ONLY COPY).

The authoritative reference and input builder live on the scoring server;
editing this copy changes nothing except your own understanding.
"""

import jax, jax.numpy as jnp
import numpy as np

NUM_CLASSES = 13
N_POINTS = 65536
D_FEAT = 256

def setup_inputs(seed: int = 0) -> dict:
    key = jax.random.key(seed)
    k1, k2 = jax.random.split(key)
    features = jax.random.normal(k1, (N_POINTS, D_FEAT), dtype=jnp.float32)
    labels = jax.random.randint(k2, (N_POINTS,), 0, NUM_CLASSES, dtype=jnp.int32)
    return {"features": features, "labels": labels}

def reference(features, labels):
    num_classes = NUM_CLASSES
    ones = jnp.ones((features.shape[0],), dtype=features.dtype)
    counts = jax.ops.segment_sum(ones, labels, num_segments=num_classes)
    sum_f = jax.ops.segment_sum(features, labels, num_segments=num_classes)
    sum_sq = jax.ops.segment_sum(jnp.sum(features * features, axis=1), labels, num_segments=num_classes)
    safe = jnp.maximum(counts, 1.0)
    mean = sum_f / safe[:, None]
    # sum((x - mean)^2) over class = sum_sq - count * ||mean||^2 = sum_sq - <mean, sum_f>
    var = (sum_sq - jnp.sum(mean * sum_f, axis=1)) / safe
    valid = counts > 1.0
    valid_count = jnp.sum(valid.astype(features.dtype))
    loss = jnp.sum(jnp.where(valid, var, 0.0))
    loss = jnp.where(valid_count > 0, loss / jnp.maximum(valid_count, 1.0), jnp.asarray(0.0, features.dtype))
    return loss

if __name__ == "__main__":
    import jax
    _d = setup_inputs()
    print(jax.jit(kernel)(*tuple(_d.values())))

</pallas_src>

<mosaic_0001>
#map = affine_map<(d0, d1) -> (0, 0)>
#map1 = affine_map<(d0, d1) -> (0)>
#map2 = affine_map<(d0, d1) -> (0, 0, 0)>
module attributes {stable_mosaic.version = 14 : i64} {
  func.func @_sc_body(%arg0: i32, %arg1: i32, %arg2: memref<65536x256xf32, #tpu.memory_space<hbm>>, %arg3: memref<65536xi32, #tpu.memory_space<hbm>>, %arg4: memref<32x16x256xf32, #tpu.memory_space<hbm>>, %arg5: memref<32x16x32xf32, #tpu.memory_space<hbm>>, %arg6: memref<2x128x256xf32, #tpu.memory_space<vmem>>, %arg7: memref<2x128xi32, #tpu.memory_space<vmem>>, %arg8: memref<16x256xf32, #tpu.memory_space<vmem>>, %arg9: memref<16x32xf32, #tpu.memory_space<vmem>>, %arg10: memref<128xi32, #tpu.memory_space<smem>>, %arg11: memref<128xi32, #tpu.memory_space<smem>>, %arg12: memref<16xi32, #tpu.memory_space<smem>>, %arg13: memref<16xi32, #tpu.memory_space<smem>>, %arg14: memref<16xi32, #tpu.memory_space<smem>>, %arg15: memref<2x!tpu.dma_semaphore, #tpu.memory_space<semaphore_mem>>, %arg16: memref<2x!tpu.dma_semaphore, #tpu.memory_space<semaphore_mem>>) attributes {dimension_semantics = [#tpu.dimension_semantics<core_parallel>, #tpu.dimension_semantics<subcore_parallel>], iteration_bounds = array<i64: 2, 16>, scalar_prefetch = 0 : i64, scratch_operands = 11 : i64, tpu.core_type = #tpu.core_type<sc_vector_subcore>, window_params = [{transform_indices = #map}, {transform_indices = #map1}, {transform_indices = #map2}, {transform_indices = #map2}]} {
    %mul3A = arith.constant 2 : i32
    %mul3A_0 = arith.muli %arg1, %mul3A : i32
    %add3A = arith.addi %mul3A_0, %arg0 : i32
    %mul3A_1 = arith.constant 1024 : i32
    %mul3A_2 = arith.muli %add3A, %mul3A_1 : i32
    %broadcast_in_dim3A = arith.constant 0.000000e+00 : f32
    %broadcast_in_dim3A_3 = vector.broadcast %broadcast_in_dim3A : f32 to vector<16xf32>
    %scan3A = arith.constant 0 : i32
    %scan3A_4 = arith.constant 0 : i32
    %scan3A_5 = arith.constant 16 : i32
    %scan3A_6 = arith.addi %scan3A_4, %scan3A_5 : i32
    %scan3A_7 = arith.constant 1 : i32
    scf.for %scan3A_74 = %scan3A_4 to %scan3A_6 step %scan3A_7  : i32 {
      %swap3A = arith.index_cast %scan3A_74 : i32 to index
      %swap3A_75 = arith.constant 0 : index
      %swap3A_76 = tpu.vector_load %arg8[%swap3A, %swap3A_75] {strides = array<i32>} : memref<16x256xf32, #tpu.memory_space<vmem>>, vector<1x16xf32>,
      %swap3A_77 = vector.shape_cast %swap3A_76 : vector<1x16xf32> to vector<16xf32>
      %swap3A_78 = vector.shape_cast %broadcast_in_dim3A_3 : vector<16xf32> to vector<1x16xf32>
      tpu.vector_store %arg8[%swap3A, %swap3A_75], %swap3A_78 {strides = array<i32>} : memref<16x256xf32, #tpu.memory_space<vmem>>, vector<1x16xf32>,
      %swap3A_79 = arith.index_cast %scan3A_74 : i32 to index
      %swap3A_80 = arith.constant 16 : index
      %swap3A_81 = tpu.vector_load %arg8[%swap3A_79, %swap3A_80] {strides = array<i32>} : memref<16x256xf32, #tpu.memory_space<vmem>>, vector<1x16xf32>,
      %swap3A_82 = vector.shape_cast %swap3A_81 : vector<1x16xf32> to vector<16xf32>
      %swap3A_83 = vector.shape_cast %broadcast_in_dim3A_3 : vector<16xf32> to vector<1x16xf32>
      tpu.vector_store %arg8[%swap3A_79, %swap3A_80], %swap3A_83 {strides = array<i32>} : memref<16x256xf32, #tpu.memory_space<vmem>>, vector<1x16xf32>,
      %swap3A_84 = arith.index_cast %scan3A_74 : i32 to index
      %swap3A_85 = arith.constant 32 : index
      %swap3A_86 = tpu.vector_load %arg8[%swap3A_84, %swap3A_85] {strides = array<i32>} : memref<16x256xf32, #tpu.memory_space<vmem>>, vector<1x16xf32>,
      %swap3A_87 = vector.shape_cast %swap3A_86 : vector<1x16xf32> to vector<16xf32>
      %swap3A_88 = vector.shape_cast %broadcast_in_dim3A_3 : vector<16xf32> to vector<1x16xf32>
      tpu.vector_store %arg8[%swap3A_84, %swap3A_85], %swap3A_88 {strides = array<i32>} : memref<16x256xf32, #tpu.memory_space<vmem>>, vector<1x16xf32>,
      %swap3A_89 = arith.index_cast %scan3A_74 : i32 to index
      %swap3A_90 = arith.constant 48 : index
      %swap3A_91 = tpu.vector_load %arg8[%swap3A_89, %swap3A_90] {strides = array<i32>} : memref<16x256xf32, #tpu.memory_space<vmem>>, vector<1x16xf32>,
      %swap3A_92 = vector.shape_cast %swap3A_91 : vector<1x16xf32> to vector<16xf32>
      %swap3A_93 = vector.shape_cast %broadcast_in_dim3A_3 : vector<16xf32> to vector<1x16xf32>
      tpu.vector_store %arg8[%swap3A_89, %swap3A_90], %swap3A_93 {strides = array<i32>} : memref<16x256xf32, #tpu.memory_space<vmem>>, vector<1x16xf32>,
      %swap3A_94 = arith.index_cast %scan3A_74 : i32 to index
      %swap3A_95 = arith.constant 64 : index
      %swap3A_96 = tpu.vector_load %arg8[%swap3A_94, %swap3A_95] {strides = array<i32>} : memref<16x256xf32, #tpu.memory_space<vmem>>, vector<1x16xf32>,
      %swap3A_97 = vector.shape_cast %swap3A_96 : vector<1x16xf32> to vector<16xf32>
      %swap3A_98 = vector.shape_cast %broadcast_in_dim3A_3 : vector<16xf32> to vector<1x16xf32>
      tpu.vector_store %arg8[%swap3A_94, %swap3A_95], %swap3A_98 {strides = array<i32>} : memref<16x256xf32, #tpu.memory_space<vmem>>, vector<1x16xf32>,
      %swap3A_99 = arith.index_cast %scan3A_74 : i32 to index
      %swap3A_100 = arith.constant 80 : index
      %swap3A_101 = tpu.vector_load %arg8[%swap3A_99, %swap3A_100] {strides = array<i32>} : memref<16x256xf32, #tpu.memory_space<vmem>>, vector<1x16xf32>,
      %swap3A_102 = vector.shape_cast %swap3A_101 : vector<1x16xf32> to vector<16xf32>
      %swap3A_103 = vector.shape_cast %broadcast_in_dim3A_3 : vector<16xf32> to vector<1x16xf32>
      tpu.vector_store %arg8[%swap3A_99, %swap3A_100], %swap3A_103 {strides = array<i32>} : memref<16x256xf32, #tpu.memory_space<vmem>>, vector<1x16xf32>,
      %swap3A_104 = arith.index_cast %scan3A_74 : i32 to index
      %swap3A_105 = arith.constant 96 : index
      %swap3A_106 = tpu.vector_load %arg8[%swap3A_104, %swap3A_105] {strides = array<i32>} : memref<16x256xf32, #tpu.memory_space<vmem>>, vector<1x16xf32>,
      %swap3A_107 = vector.shape_cast %swap3A_106 : vector<1x16xf32> to vector<16xf32>
      %swap3A_108 = vector.shape_cast %broadcast_in_dim3A_3 : vector<16xf32> to vector<1x16xf32>
      tpu.vector_store %arg8[%swap3A_104, %swap3A_105], %swap3A_108 {strides = array<i32>} : memref<16x256xf32, #tpu.memory_space<vmem>>, vector<1x16xf32>,
      %swap3A_109 = arith.index_cast %scan3A_74 : i32 to index
      %swap3A_110 = arith.constant 112 : index
      %swap3A_111 = tpu.vector_load %arg8[%swap3A_109, %swap3A_110] {strides = array<i32>} : memref<16x256xf32, #tpu.memory_space<vmem>>, vector<1x16xf32>,
      %swap3A_112 = vector.shape_cast %swap3A_111 : vector<1x16xf32> to vector<16xf32>
      %swap3A_113 = vector.shape_cast %broadcast_in_dim3A_3 : vector<16xf32> to vector<1x16xf32>
      tpu.vector_store %arg8[%swap3A_109, %swap3A_110], %swap3A_113 {strides = array<i32>} : memref<16x256xf32, #tpu.memory_space<vmem>>, vector<1x16xf32>,
      %swap3A_114 = arith.index_cast %scan3A_74 : i32 to index
      %swap3A_115 = arith.constant 128 : index
      %swap3A_116 = tpu.vector_load %arg8[%swap3A_114, %swap3A_115] {strides = array<i32>} : memref<16x256xf32, #tpu.memory_space<vmem>>, vector<1x16xf32>,
      %swap3A_117 = vector.shape_cast %swap3A_116 : vector<1x16xf32> to vector<16xf32>
      %swap3A_118 = vector.shape_cast %broadcast_in_dim3A_3 : vector<16xf32> to vector<1x16xf32>
      tpu.vector_store %arg8[%swap3A_114, %swap3A_115], %swap3A_118 {strides = array<i32>} : memref<16x256xf32, #tpu.memory_space<vmem>>, vector<1x16xf32>,
      %swap3A_119 = arith.index_cast %scan3A_74 : i32 to index
      %swap3A_120 = arith.constant 144 : index
      %swap3A_121 = tpu.vector_load %arg8[%swap3A_119, %swap3A_120] {strides = array<i32>} : memref<16x256xf32, #tpu.memory_space<vmem>>, vector<1x16xf32>,
      %swap3A_122 = vector.shape_cast %swap3A_121 : vector<1x16xf32> to vector<16xf32>
      %swap3A_123 = vector.shape_cast %broadcast_in_dim3A_3 : vector<16xf32> to vector<1x16xf32>
      tpu.vector_store %arg8[%swap3A_119, %swap3A_120], %swap3A_123 {strides = array<i32>} : memref<16x256xf32, #tpu.memory_space<vmem>>, vector<1x16xf32>,
      %swap3A_124 = arith.index_cast %scan3A_74 : i32 to index
      %swap3A_125 = arith.constant 160 : index
      %swap3A_126 = tpu.vector_load %arg8[%swap3A_124, %swap3A_125] {strides = array<i32>} : memref<16x256xf32, #tpu.memory_space<vmem>>, vector<1x16xf32>,
      %swap3A_127 = vector.shape_cast %swap3A_126 : vector<1x16xf32> to vector<16xf32>
      %swap3A_128 = vector.shape_cast %broadcast_in_dim3A_3 : vector<16xf32> to vector<1x16xf32>
      tpu.vector_store %arg8[%swap3A_124, %swap3A_125], %swap3A_128 {strides = array<i32>} : memref<16x256xf32, #tpu.memory_space<vmem>>, vector<1x16xf32>,
      %swap3A_129 = arith.index_cast %scan3A_74 : i32 to index
      %swap3A_130 = arith.constant 176 : index
      %swap3A_131 = tpu.vector_load %arg8[%swap3A_129, %swap3A_130] {strides = array<i32>} : memref<16x256xf32, #tpu.memory_space<vmem>>, vector<1x16xf32>,
      %swap3A_132 = vector.shape_cast %swap3A_131 : vector<1x16xf32> to vector<16xf32>
      %swap3A_133 = vector.shape_cast %broadcast_in_dim3A_3 : vector<16xf32> to vector<1x16xf32>
      tpu.vector_store %arg8[%swap3A_129, %swap3A_130], %swap3A_133 {strides = array<i32>} : memref<16x256xf32, #tpu.memory_space<vmem>>, vector<1x16xf32>,
      %swap3A_134 = arith.index_cast %scan3A_74 : i32 to index
      %swap3A_135 = arith.constant 192 : index
      %swap3A_136 = tpu.vector_load %arg8[%swap3A_134, %swap3A_135] {strides = array<i32>} : memref<16x256xf32, #tpu.memory_space<vmem>>, vector<1x16xf32>,
      %swap3A_137 = vector.shape_cast %swap3A_136 : vector<1x16xf32> to vector<16xf32>
      %swap3A_138 = vector.shape_cast %broadcast_in_dim3A_3 : vector<16xf32> to vector<1x16xf32>
      tpu.vector_store %arg8[%swap3A_134, %swap3A_135], %swap3A_138 {strides = array<i32>} : memref<16x256xf32, #tpu.memory_space<vmem>>, vector<1x16xf32>,
      %swap3A_139 = arith.index_cast %scan3A_74 : i32 to index
      %swap3A_140 = arith.constant 208 : index
      %swap3A_141 = tpu.vector_load %arg8[%swap3A_139, %swap3A_140] {strides = array<i32>} : memref<16x256xf32, #tpu.memory_space<vmem>>, vector<1x16xf32>,
      %swap3A_142 = vector.shape_cast %swap3A_141 : vector<1x16xf32> to vector<16xf32>
      %swap3A_143 = vector.shape_cast %broadcast_in_dim3A_3 : vector<16xf32> to vector<1x16xf32>
      tpu.vector_store %arg8[%swap3A_139, %swap3A_140], %swap3A_143 {strides = array<i32>} : memref<16x256xf32, #tpu.memory_space<vmem>>, vector<1x16xf32>,
      %swap3A_144 = arith.index_cast %scan3A_74 : i32 to index
      %swap3A_145 = arith.constant 224 : index
      %swap3A_146 = tpu.vector_load %arg8[%swap3A_144, %swap3A_145] {strides = array<i32>} : memref<16x256xf32, #tpu.memory_space<vmem>>, vector<1x16xf32>,
      %swap3A_147 = vector.shape_cast %swap3A_146 : vector<1x16xf32> to vector<16xf32>
      %swap3A_148 = vector.shape_cast %broadcast_in_dim3A_3 : vector<16xf32> to vector<1x16xf32>
      tpu.vector_store %arg8[%swap3A_144, %swap3A_145], %swap3A_148 {strides = array<i32>} : memref<16x256xf32, #tpu.memory_space<vmem>>, vector<1x16xf32>,
      %swap3A_149 = arith.index_cast %scan3A_74 : i32 to index
      %swap3A_150 = arith.constant 240 : index
      %swap3A_151 = tpu.vector_load %arg8[%swap3A_149, %swap3A_150] {strides = array<i32>} : memref<16x256xf32, #tpu.memory_space<vmem>>, vector<1x16xf32>,
      %swap3A_152 = vector.shape_cast %swap3A_151 : vector<1x16xf32> to vector<16xf32>
      %swap3A_153 = vector.shape_cast %broadcast_in_dim3A_3 : vector<16xf32> to vector<1x16xf32>
      tpu.vector_store %arg8[%swap3A_149, %swap3A_150], %swap3A_153 {strides = array<i32>} : memref<16x256xf32, #tpu.memory_space<vmem>>, vector<1x16xf32>,
      %swap3A_154 = arith.index_cast %scan3A_74 : i32 to index
      %swap3A_155 = arith.constant 0 : index
      %swap3A_156 = tpu.vector_load %arg9[%swap3A_154, %swap3A_155] {strides = array<i32>} : memref<16x32xf32, #tpu.memory_space<vmem>>, vector<1x16xf32>,
      %swap3A_157 = vector.shape_cast %swap3A_156 : vector<1x16xf32> to vector<16xf32>
      %swap3A_158 = vector.shape_cast %broadcast_in_dim3A_3 : vector<16xf32> to vector<1x16xf32>
      tpu.vector_store %arg9[%swap3A_154, %swap3A_155], %swap3A_158 {strides = array<i32>} : memref<16x32xf32, #tpu.memory_space<vmem>>, vector<1x16xf32>,
      %swap3A_159 = arith.index_cast %scan3A_74 : i32 to index
      %swap3A_160 = arith.constant 16 : index
      %swap3A_161 = tpu.vector_load %arg9[%swap3A_159, %swap3A_160] {strides = array<i32>} : memref<16x32xf32, #tpu.memory_space<vmem>>, vector<1x16xf32>,
      %swap3A_162 = vector.shape_cast %swap3A_161 : vector<1x16xf32> to vector<16xf32>
      %swap3A_163 = vector.shape_cast %broadcast_in_dim3A_3 : vector<16xf32> to vector<1x16xf32>
      tpu.vector_store %arg9[%swap3A_159, %swap3A_160], %swap3A_163 {strides = array<i32>} : memref<16x32xf32, #tpu.memory_space<vmem>>, vector<1x16xf32>,
    }
    %scan3A_8 = arith.constant 16 : i32
    %add3A_9 = arith.constant 0 : i32
    %add3A_10 = arith.addi %mul3A_2, %add3A_9 : i32
    %dma_start3A = arith.constant 0 : i32
    %dma_start3A_11 = arith.constant 0 : i32
    %dma_start3A_12 = arith.constant 0 : i32
    %dma_start3A_13 = arith.constant 0 : i32
    %dma_start3A_14 = tpu.memref_slice %arg6[%dma_start3A, %dma_start3A_12, %dma_start3A_13] : memref<2x128x256xf32, #tpu.memory_space<vmem>> -> memref<1x128x256xf32, #tpu.memory_space<vmem>>
    %dma_start3A_15 = tpu.memref_squeeze %dma_start3A_14 : memref<1x128x256xf32, #tpu.memory_space<vmem>> -> memref<128x256xf32, #tpu.memory_space<vmem>>
    %dma_start3A_16 = arith.constant 0 : i32
    %dma_start3A_17 = tpu.memref_slice %arg2[%add3A_10, %dma_start3A_16] : memref<65536x256xf32, #tpu.memory_space<hbm>> -> memref<128x256xf32, #tpu.memory_space<hbm>>
    %dma_start3A_18 = tpu.memref_slice %arg15[%dma_start3A_11] : memref<2x!tpu.dma_semaphore, #tpu.memory_space<semaphore_mem>> -> memref<1x!tpu.dma_semaphore, #tpu.memory_space<semaphore_mem>>
    %dma_start3A_19 = tpu.memref_squeeze %dma_start3A_18 : memref<1x!tpu.dma_semaphore, #tpu.memory_space<semaphore_mem>> -> memref<!tpu.dma_semaphore, #tpu.memory_space<semaphore_mem>>
    %dma_start3A_20 = arith.constant 0 : i32
    %dma_start3A_21 = arith.constant 0 : i32
    %dma_start3A_22 = tpu.memref_slice %arg6[%dma_start3A, %dma_start3A_20, %dma_start3A_21] : memref<2x128x256xf32, #tpu.memory_space<vmem>> -> memref<1x128x256xf32, #tpu.memory_space<vmem>>
    %dma_start3A_23 = tpu.memref_squeeze %dma_start3A_22 : memref<1x128x256xf32, #tpu.memory_space<vmem>> -> memref<128x256xf32, #tpu.memory_space<vmem>>
    %dma_start3A_24 = arith.constant 0 : i32
    %dma_start3A_25 = tpu.memref_slice %arg2[%add3A_10, %dma_start3A_24] : memref<65536x256xf32, #tpu.memory_space<hbm>> -> memref<128x256xf32, #tpu.memory_space<hbm>>
    tpu.enqueue_dma source(%dma_start3A_25 : memref<128x256xf32, #tpu.memory_space<hbm>>) target(%dma_start3A_23 : memref<128x256xf32, #tpu.memory_space<vmem>>) target_semaphore(%dma_start3A_19 : memref<!tpu.dma_semaphore, #tpu.memory_space<semaphore_mem>>)
    %dma_start3A_26 = arith.constant 0 : i32
    %dma_start3A_27 = arith.constant 0 : i32
    %dma_start3A_28 = arith.constant 0 : i32
    %dma_start3A_29 = tpu.memref_slice %arg7[%dma_start3A_26, %dma_start3A_28] : memref<2x128xi32, #tpu.memory_space<vmem>> -> memref<1x128xi32, #tpu.memory_space<vmem>>
    %dma_start3A_30 = tpu.memref_squeeze %dma_start3A_29 : memref<1x128xi32, #tpu.memory_space<vmem>> -> memref<128xi32, #tpu.memory_space<vmem>>
    %dma_start3A_31 = tpu.memref_slice %arg3[%add3A_10] : memref<65536xi32, #tpu.memory_space<hbm>> -> memref<128xi32, #tpu.memory_space<hbm>>
    %dma_start3A_32 = tpu.memref_slice %arg16[%dma_start3A_27] : memref<2x!tpu.dma_semaphore, #tpu.memory_space<semaphore_mem>> -> memref<1x!tpu.dma_semaphore, #tpu.memory_space<semaphore_mem>>
    %dma_start3A_33 = tpu.memref_squeeze %dma_start3A_32 : memref<1x!tpu.dma_semaphore, #tpu.memory_space<semaphore_mem>> -> memref<!tpu.dma_semaphore, #tpu.memory_space<semaphore_mem>>
    %dma_start3A_34 = arith.constant 0 : i32
    %dma_start3A_35 = tpu.memref_slice %arg7[%dma_start3A_26, %dma_start3A_34] : memref<2x128xi32, #tpu.memory_space<vmem>> -> memref<1x128xi32, #tpu.memory_space<vmem>>
    %dma_start3A_36 = tpu.memref_squeeze %dma_start3A_35 : memref<1x128xi32, #tpu.memory_space<vmem>> -> memref<128xi32, #tpu.memory_space<vmem>>
    %dma_start3A_37 = tpu.memref_slice %arg3[%add3A_10] : memref<65536xi32, #tpu.memory_space<hbm>> -> memref<128xi32, #tpu.memory_space<hbm>>
    tpu.enqueue_dma source(%dma_start3A_37 : memref<128xi32, #tpu.memory_space<hbm>>) target(%dma_start3A_36 : memref<128xi32, #tpu.memory_space<vmem>>) target_semaphore(%dma_start3A_33 : memref<!tpu.dma_semaphore, #tpu.memory_space<semaphore_mem>>)
    %add3A_38 = arith.constant 128 : i32
    %add3A_39 = arith.addi %mul3A_2, %add3A_38 : i32
    %dma_start3A_40 = arith.constant 1 : i32
    %dma_start3A_41 = arith.constant 1 : i32
    %dma_start3A_42 = arith.constant 0 : i32
    %dma_start3A_43 = arith.constant 0 : i32
    %dma_start3A_44 = tpu.memref_slice %arg6[%dma_start3A_40, %dma_start3A_42, %dma_start3A_43] : memref<2x128x256xf32, #tpu.memory_space<vmem>> -> memref<1x128x256xf32, #tpu.memory_space<vmem>>
    %dma_start3A_45 = tpu.memref_squeeze %dma_start3A_44 : memref<1x128x256xf32, #tpu.memory_space<vmem>> -> memref<128x256xf32, #tpu.memory_space<vmem>>
    %dma_start3A_46 = arith.constant 0 : i32
    %dma_start3A_47 = tpu.memref_slice %arg2[%add3A_39, %dma_start3A_46] : memref<65536x256xf32, #tpu.memory_space<hbm>> -> memref<128x256xf32, #tpu.memory_space<hbm>>
    %dma_start3A_48 = tpu.memref_slice %arg15[%dma_start3A_41] : memref<2x!tpu.dma_semaphore, #tpu.memory_space<semaphore_mem>> -> memref<1x!tpu.dma_semaphore, #tpu.memory_space<semaphore_mem>>
    %dma_start3A_49 = tpu.memref_squeeze %dma_start3A_48 : memref<1x!tpu.dma_semaphore, #tpu.memory_space<semaphore_mem>> -> memref<!tpu.dma_semaphore, #tpu.memory_space<semaphore_mem>>
    %dma_start3A_50 = arith.constant 0 : i32
    %dma_start3A_51 = arith.constant 0 : i32
    %dma_start3A_52 = tpu.memref_slice %arg6[%dma_start3A_40, %dma_start3A_50, %dma_start3A_51] : memref<2x128x256xf32, #tpu.memory_space<vmem>> -> memref<1x128x256xf32, #tpu.memory_space<vmem>>
    %dma_start3A_53 = tpu.memref_squeeze %dma_start3A_52 : memref<1x128x256xf32, #tpu.memory_space<vmem>> -> memref<128x256xf32, #tpu.memory_space<vmem>>
    %dma_start3A_54 = arith.constant 0 : i32
    %dma_start3A_55 = tpu.memref_slice %arg2[%add3A_39, %dma_start3A_54] : memref<65536x256xf32, #tpu.memory_space<hbm>> -> memref<128x256xf32, #tpu.memory_space<hbm>>
    tpu.enqueue_dma source(%dma_start3A_55 : memref<128x256xf32, #tpu.memory_space<hbm>>) target(%dma_start3A_53 : memref<128x256xf32, #tpu.memory_space<vmem>>) target_semaphore(%dma_start3A_49 : memref<!tpu.dma_semaphore, #tpu.memory_space<semaphore_mem>>)
    %dma_start3A_56 = arith.constant 1 : i32
    %dma_start3A_57 = arith.constant 1 : i32
    %dma_start3A_58 = arith.constant 0 : i32
    %dma_start3A_59 = tpu.memref_slice %arg7[%dma_start3A_56, %dma_start3A_58] : memref<2x128xi32, #tpu.memory_space<vmem>> -> memref<1x128xi32, #tpu.memory_space<vmem>>
    %dma_start3A_60 = tpu.memref_squeeze %dma_start3A_59 : memref<1x128xi32, #tpu.memory_space<vmem>> -> memref<128xi32, #tpu.memory_space<vmem>>
    %dma_start3A_61 = tpu.memref_slice %arg3[%add3A_39] : memref<65536xi32, #tpu.memory_space<hbm>> -> memref<128xi32, #tpu.memory_space<hbm>>
    %dma_start3A_62 = tpu.memref_slice %arg16[%dma_start3A_57] : memref<2x!tpu.dma_semaphore, #tpu.memory_space<semaphore_mem>> -> memref<1x!tpu.dma_semaphore, #tpu.memory_space<semaphore_mem>>
    %dma_start3A_63 = tpu.memref_squeeze %dma_start3A_62 : memref<1x!tpu.dma_semaphore, #tpu.memory_space<semaphore_mem>> -> memref<!tpu.dma_semaphore, #tpu.memory_space<semaphore_mem>>
    %dma_start3A_64 = arith.constant 0 : i32
    %dma_start3A_65 = tpu.memref_slice %arg7[%dma_start3A_56, %dma_start3A_64] : memref<2x128xi32, #tpu.memory_space<vmem>> -> memref<1x128xi32, #tpu.memory_space<vmem>>
    %dma_start3A_66 = tpu.memref_squeeze %dma_start3A_65 : memref<1x128xi32, #tpu.memory_space<vmem>> -> memref<128xi32, #tpu.memory_space<vmem>>
    %dma_start3A_67 = tpu.memref_slice %arg3[%add3A_39] : memref<65536xi32, #tpu.memory_space<hbm>> -> memref<128xi32, #tpu.memory_space<hbm>>
    tpu.enqueue_dma source(%dma_start3A_67 : memref<128xi32, #tpu.memory_space<hbm>>) target(%dma_start3A_66 : memref<128xi32, #tpu.memory_space<vmem>>) target_semaphore(%dma_start3A_63 : memref<!tpu.dma_semaphore, #tpu.memory_space<semaphore_mem>>)
    %scan3A_68 = arith.constant 0 : i32
    %scan3A_69 = arith.constant 0 : i32
    %scan3A_70 = arith.constant 8 : i32
    %scan3A_71 = arith.addi %scan3A_69, %scan3A_70 : i32
    %scan3A_72 = arith.constant 1 : i32
    scf.for %scan3A_74 = %scan3A_69 to %scan3A_71 step %scan3A_72  : i32 {
      %jit3A = arith.constant 2 : i32
      %eq3A = arith.constant 0 : i32
      %eq3A_75 = arith.cmpi eq, %jit3A, %eq3A : i32
      %jit3A_76 = arith.constant 1 : i32
      %select_n3A = arith.select %eq3A_75, %jit3A_76, %jit3A : i32
      %rem3A = arith.remsi %scan3A_74, %select_n3A : i32
      %ne3A = arith.constant 0 : i32
      %ne3A_77 = arith.cmpi ne, %rem3A, %ne3A : i32
      %lt3A = arith.constant 0 : i32
      %lt3A_78 = arith.cmpi slt, %rem3A, %lt3A : i32
      %lt3A_79 = arith.constant 0 : i32
      %lt3A_80 = arith.cmpi slt, %select_n3A, %lt3A_79 : i32
      %ne3A_81 = arith.xori %lt3A_78, %lt3A_80 : i1
      %and3A = arith.andi %ne3A_81, %ne3A_77 : i1
      %add3A_82 = arith.addi %rem3A, %select_n3A : i32
      %select_n3A_83 = arith.select %and3A, %add3A_82, %rem3A : i32
      %dma_wait3A = arith.constant 0 : i32
      %dma_wait3A_84 = tpu.memref_slice %arg7[%select_n3A_83, %dma_wait3A] : memref<2x128xi32, #tpu.memory_space<vmem>> -> memref<1x128xi32, #tpu.memory_space<vmem>>
      %dma_wait3A_85 = tpu.memref_squeeze %dma_wait3A_84 : memref<1x128xi32, #tpu.memory_space<vmem>> -> memref<128xi32, #tpu.memory_space<vmem>>
      %dma_wait3A_86 = arith.constant 0 : i32
      %dma_wait3A_87 = tpu.memref_slice %arg3[%dma_wait3A_86] : memref<65536xi32, #tpu.memory_space<hbm>> -> memref<128xi32, #tpu.memory_space<hbm>>
      %dma_wait3A_88 = tpu.memref_slice %arg16[%select_n3A_83] : memref<2x!tpu.dma_semaphore, #tpu.memory_space<semaphore_mem>> -> memref<1x!tpu.dma_semaphore, #tpu.memory_space<semaphore_mem>>
      %dma_wait3A_89 = tpu.memref_squeeze %dma_wait3A_88 : memref<1x!tpu.dma_semaphore, #tpu.memory_space<semaphore_mem>> -> memref<!tpu.dma_semaphore, #tpu.memory_space<semaphore_mem>>
      %dma_wait3A_90 = arith.constant 0 : i32
      %dma_wait3A_91 = tpu.memref_slice %arg7[%select_n3A_83, %dma_wait3A_90] : memref<2x128xi32, #tpu.memory_space<vmem>> -> memref<1x128xi32, #tpu.memory_space<vmem>>
      %dma_wait3A_92 = tpu.memref_squeeze %dma_wait3A_91 : memref<1x128xi32, #tpu.memory_space<vmem>> -> memref<128xi32, #tpu.memory_space<vmem>>
      %dma_wait3A_93 = arith.constant 0 : i32
      %dma_wait3A_94 = tpu.memref_slice %arg3[%dma_wait3A_93] : memref<65536xi32, #tpu.memory_space<hbm>> -> memref<128xi32, #tpu.memory_space<hbm>>
      tpu.wait_dma2 semaphore(%dma_wait3A_89 : memref<!tpu.dma_semaphore, #tpu.memory_space<semaphore_mem>>) src(%dma_wait3A_94 : memref<128xi32, #tpu.memory_space<hbm>>) dst(%dma_wait3A_92 : memref<128xi32, #tpu.memory_space<vmem>>)
      %scan3A_95 = arith.constant 0 : i32
      %scan3A_96 = arith.constant 0 : i32
      %scan3A_97 = arith.constant 13 : i32
      %scan3A_98 = arith.addi %scan3A_96, %scan3A_97 : i32
      %scan3A_99 = arith.constant 1 : i32
      scf.for %scan3A_147 = %scan3A_96 to %scan3A_98 step %scan3A_99  : i32 {
        %swap3A = arith.constant 0 : i32
        %swap3A_148 = arith.index_cast %scan3A_147 : i32 to index
        %swap3A_149 = memref.load %arg12[%swap3A_148] : memref<16xi32, #tpu.memory_space<smem>>
        memref.store %swap3A, %arg12[%swap3A_148] : memref<16xi32, #tpu.memory_space<smem>>
      }
      %scan3A_100 = arith.constant 13 : i32
      %scan3A_101 = arith.constant 0 : i32
      %scan3A_102 = arith.constant 0 : i32
      %scan3A_103 = arith.constant 8 : i32
      %scan3A_104 = arith.addi %scan3A_102, %scan3A_103 : i32
      %scan3A_105 = arith.constant 1 : i32
      scf.for %scan3A_147 = %scan3A_102 to %scan3A_104 step %scan3A_105  : i32 {
        %mul3A_148 = arith.constant 16 : i32
        %mul3A_149 = arith.muli %mul3A_148, %scan3A_147 : i32
        %get3A = arith.index_cast %select_n3A_83 : i32 to index
        %get3A_150 = arith.index_cast %mul3A_149 : i32 to index
        %get3A_151 = tpu.vector_load %arg7[%get3A, %get3A_150] {strides = array<i32>} : memref<2x128xi32, #tpu.memory_space<vmem>>, vector<1x16xi32>,
        %get3A_152 = vector.shape_cast %get3A_151 : vector<1x16xi32> to vector<16xi32>
        %slice3A = vector.extract_strided_slice %get3A_152 {offsets = [0], sizes = [1], strides = [1]} : vector<16xi32> to vector<1xi32>
        %squeeze3A = vector.extract %slice3A[0] : i32 from vector<1xi32>
        %mul3A_153 = arith.constant 16 : i32
        %mul3A_154 = arith.muli %mul3A_153, %scan3A_147 : i32
        %add3A_155 = arith.constant 0 : i32
        %add3A_156 = arith.addi %mul3A_154, %add3A_155 : i32
        %swap3A = arith.index_cast %add3A_156 : i32 to index
        %swap3A_157 = memref.load %arg10[%swap3A] : memref<128xi32, #tpu.memory_space<smem>>
        memref.store %squeeze3A, %arg10[%swap3A] : memref<128xi32, #tpu.memory_space<smem>>
        %get3A_158 = arith.index_cast %squeeze3A : i32 to index
        %get3A_159 = memref.load %arg12[%get3A_158] : memref<16xi32, #tpu.memory_space<smem>>
        %add3A_160 = arith.constant 1 : i32
        %add3A_161 = arith.addi %get3A_159, %add3A_160 : i32
        %swap3A_162 = arith.index_cast %squeeze3A : i32 to index
        %swap3A_163 = memref.load %arg12[%swap3A_162] : memref<16xi32, #tpu.memory_space<smem>>
        memref.store %add3A_161, %arg12[%swap3A_162] : memref<16xi32, #tpu.memory_space<smem>>
        %slice3A_164 = vector.extract_strided_slice %get3A_152 {offsets = [1], sizes = [1], strides = [1]} : vector<16xi32> to vector<1xi32>
        %squeeze3A_165 = vector.extract %slice3A_164[0] : i32 from vector<1xi32>
        %mul3A_166 = arith.constant 16 : i32
        %mul3A_167 = arith.muli %mul3A_166, %scan3A_147 : i32
        %add3A_168 = arith.constant 1 : i32
        %add3A_169 = arith.addi %mul3A_167, %add3A_168 : i32
        %swap3A_170 = arith.index_cast %add3A_169 : i32 to index
        %swap3A_171 = memref.load %arg10[%swap3A_170] : memref<128xi32, #tpu.memory_space<smem>>
        memref.store %squeeze3A_165, %arg10[%swap3A_170] : memref<128xi32, #tpu.memory_space<smem>>
        %get3A_172 = arith.index_cast %squeeze3A_165 : i32 to index
        %get3A_173 = memref.load %arg12[%get3A_172] : memref<16xi32, #tpu.memory_space<smem>>
        %add3A_174 = arith.constant 1 : i32
        %add3A_175 = arith.addi %get3A_173, %add3A_174 : i32
        %swap3A_176 = arith.index_cast %squeeze3A_165 : i32 to index
        %swap3A_177 = memref.load %arg12[%swap3A_176] : memref<16xi32, #tpu.memory_space<smem>>
        memref.store %add3A_175, %arg12[%swap3A_176] : memref<16xi32, #tpu.memory_space<smem>>
        %slice3A_178 = vector.extract_strided_slice %get3A_152 {offsets = [2], sizes = [1], strides = [1]} : vector<16xi32> to vector<1xi32>
        %squeeze3A_179 = vector.extract %slice3A_178[0] : i32 from vector<1xi32>
        %mul3A_180 = arith.constant 16 : i32
        %mul3A_181 = arith.muli %mul3A_180, %scan3A_147 : i32
        %add3A_182 = arith.constant 2 : i32
        %add3A_183 = arith.addi %mul3A_181, %add3A_182 : i32
        %swap3A_184 = arith.index_cast %add3A_183 : i32 to index
        %swap3A_185 = memref.load %arg10[%swap3A_184] : memref<128xi32, #tpu.memory_space<smem>>
        memref.store %squeeze3A_179, %arg10[%swap3A_184] : memref<128xi32, #tpu.memory_space<smem>>
        %get3A_186 = arith.index_cast %squeeze3A_179 : i32 to index
        %get3A_187 = memref.load %arg12[%get3A_186] : memref<16xi32, #tpu.memory_space<smem>>
        %add3A_188 = arith.constant 1 : i32
        %add3A_189 = arith.addi %get3A_187, %add3A_188 : i32
        %swap3A_190 = arith.index_cast %squeeze3A_179 : i32 to index
        %swap3A_191 = memref.load %arg12[%swap3A_190] : memref<16xi32, #tpu.memory_space<smem>>
        memref.store %add3A_189, %arg12[%swap3A_190] : memref<16xi32, #tpu.memory_space<smem>>
        %slice3A_192 = vector.extract_strided_slice %get3A_152 {offsets = [3], sizes = [1], strides = [1]} : vector<16xi32> to vector<1xi32>
        %squeeze3A_193 = vector.extract %slice3A_192[0] : i32 from vector<1xi32>
        %mul3A_194 = arith.constant 16 : i32
        %mul3A_195 = arith.muli %mul3A_194, %scan3A_147 : i32
        %add3A_196 = arith.constant 3 : i32
        %add3A_197 = arith.addi %mul3A_195, %add3A_196 : i32
        %swap3A_198 = arith.index_cast %add3A_197 : i32 to index
        %swap3A_199 = memref.load %arg10[%swap3A_198] : memref<128xi32, #tpu.memory_space<smem>>
        memref.store %squeeze3A_193, %arg10[%swap3A_198] : memref<128xi32, #tpu.memory_space<smem>>
        %get3A_200 = arith.index_cast %squeeze3A_193 : i32 to index
        %get3A_201 = memref.load %arg12[%get3A_200] : memref<16xi32, #tpu.memory_space<smem>>
        %add3A_202 = arith.constant 1 : i32
        %add3A_203 = arith.addi %get3A_201, %add3A_202 : i32
        %swap3A_204 = arith.index_cast %squeeze3A_193 : i32 to index
        %swap3A_205 = memref.load %arg12[%swap3A_204] : memref<16xi32, #tpu.memory_space<smem>>
        memref.store %add3A_203, %arg12[%swap3A_204] : memref<16xi32, #tpu.memory_space<smem>>
        %slice3A_206 = vector.extract_strided_slice %get3A_152 {offsets = [4], sizes = [1], strides = [1]} : vector<16xi32> to vector<1xi32>
        %squeeze3A_207 = vector.extract %slice3A_206[0] : i32 from vector<1xi32>
        %mul3A_208 = arith.constant 16 : i32
        %mul3A_209 = arith.muli %mul3A_208, %scan3A_147 : i32
        %add3A_210 = arith.constant 4 : i32
        %add3A_211 = arith.addi %mul3A_209, %add3A_210 : i32
        %swap3A_212 = arith.index_cast %add3A_211 : i32 to index
        %swap3A_213 = memref.load %arg10[%swap3A_212] : memref<128xi32, #tpu.memory_space<smem>>
        memref.store %squeeze3A_207, %arg10[%swap3A_212] : memref<128xi32, #tpu.memory_space<smem>>
        %get3A_214 = arith.index_cast %squeeze3A_207 : i32 to index
        %get3A_215 = memref.load %arg12[%get3A_214] : memref<16xi32, #tpu.memory_space<smem>>
        %add3A_216 = arith.constant 1 : i32
        %add3A_217 = arith.addi %get3A_215, %add3A_216 : i32
        %swap3A_218 = arith.index_cast %squeeze3A_207 : i32 to index
        %swap3A_219 = memref.load %arg12[%swap3A_218] : memref<16xi32, #tpu.memory_space<smem>>
        memref.store %add3A_217, %arg12[%swap3A_218] : memref<16xi32, #tpu.memory_space<smem>>
        %slice3A_220 = vector.extract_strided_slice %get3A_152 {offsets = [5], sizes = [1], strides = [1]} : vector<16xi32> to vector<1xi32>
        %squeeze3A_221 = vector.extract %slice3A_220[0] : i32 from vector<1xi32>
        %mul3A_222 = arith.constant 16 : i32
        %mul3A_223 = arith.muli %mul3A_222, %scan3A_147 : i32
        %add3A_224 = arith.constant 5 : i32
        %add3A_225 = arith.addi %mul3A_223, %add3A_224 : i32
        %swap3A_226 = arith.index_cast %add3A_225 : i32 to index
        %swap3A_227 = memref.load %arg10[%swap3A_226] : memref<128xi32, #tpu.memory_space<smem>>
        memref.store %squeeze3A_221, %arg10[%swap3A_226] : memref<128xi32, #tpu.memory_space<smem>>
        %get3A_228 = arith.index_cast %squeeze3A_221 : i32 to index
        %get3A_229 = memref.load %arg12[%get3A_228] : memref<16xi32, #tpu.memory_space<smem>>
        %add3A_230 = arith.constant 1 : i32
        %add3A_231 = arith.addi %get3A_229, %add3A_230 : i32
        %swap3A_232 = arith.index_cast %squeeze3A_221 : i32 to index
        %swap3A_233 = memref.load %arg12[%swap3A_232] : memref<16xi32, #tpu.memory_space<smem>>
        memref.store %add3A_231, %arg12[%swap3A_232] : memref<16xi32, #tpu.memory_space<smem>>
        %slice3A_234 = vector.extract_strided_slice %get3A_152 {offsets = [6], sizes = [1], strides = [1]} : vector<16xi32> to vector<1xi32>
        %squeeze3A_235 = vector.extract %slice3A_234[0] : i32 from vector<1xi32>
        %mul3A_236 = arith.constant 16 : i32
        %mul3A_237 = arith.muli %mul3A_236, %scan3A_147 : i32
        %add3A_238 = arith.constant 6 : i32
        %add3A_239 = arith.addi %mul3A_237, %add3A_238 : i32
        %swap3A_240 = arith.index_cast %add3A_239 : i32 to index
        %swap3A_241 = memref.load %arg10[%swap3A_240] : memref<128xi32, #tpu.memory_space<smem>>
        memref.store %squeeze3A_235, %arg10[%swap3A_240] : memref<128xi32, #tpu.memory_space<smem>>
        %get3A_242 = arith.index_cast %squeeze3A_235 : i32 to index
        %get3A_243 = memref.load %arg12[%get3A_242] : memref<16xi32, #tpu.memory_space<smem>>
        %add3A_244 = arith.constant 1 : i32
        %add3A_245 = arith.addi %get3A_243, %add3A_244 : i32
        %swap3A_246 = arith.index_cast %squeeze3A_235 : i32 to index
        %swap3A_247 = memref.load %arg12[%swap3A_246] : memref<16xi32, #tpu.memory_space<smem>>
        memref.store %add3A_245, %arg12[%swap3A_246] : memref<16xi32, #tpu.memory_space<smem>>
        %slice3A_248 = vector.extract_strided_slice %get3A_152 {offsets = [7], sizes = [1], strides = [1]} : vector<16xi32> to vector<1xi32>
        %squeeze3A_249 = vector.extract %slice3A_248[0] : i32 from vector<1xi32>
        %mul3A_250 = arith.constant 16 : i32
        %mul3A_251 = arith.muli %mul3A_250, %scan3A_147 : i32
        %add3A_252 = arith.constant 7 : i32
        %add3A_253 = arith.addi %mul3A_251, %add3A_252 : i32
        %swap3A_254 = arith.index_cast %add3A_253 : i32 to index
        %swap3A_255 = memref.load %arg10[%swap3A_254] : memref<128xi32, #tpu.memory_space<smem>>
        memref.store %squeeze3A_249, %arg10[%swap3A_254] : memref<128xi32, #tpu.memory_space<smem>>
        %get3A_256 = arith.index_cast %squeeze3A_249 : i32 to index
        %get3A_257 = memref.load %arg12[%get3A_256] : memref<16xi32, #tpu.memory_space<smem>>
        %add3A_258 = arith.constant 1 : i32
        %add3A_259 = arith.addi %get3A_257, %add3A_258 : i32
        %swap3A_260 = arith.index_cast %squeeze3A_249 : i32 to index
        %swap3A_261 = memref.load %arg12[%swap3A_260] : memref<16xi32, #tpu.memory_space<smem>>
        memref.store %add3A_259, %arg12[%swap3A_260] : memref<16xi32, #tpu.memory_space<smem>>
        %slice3A_262 = vector.extract_strided_slice %get3A_152 {offsets = [8], sizes = [1], strides = [1]} : vector<16xi32> to vector<1xi32>
        %squeeze3A_263 = vector.extract %slice3A_262[0] : i32 from vector<1xi32>
        %mul3A_264 = arith.constant 16 : i32
        %mul3A_265 = arith.muli %mul3A_264, %scan3A_147 : i32
        %add3A_266 = arith.constant 8 : i32
        %add3A_267 = arith.addi %mul3A_265, %add3A_266 : i32
        %swap3A_268 = arith.index_cast %add3A_267 : i32 to index
        %swap3A_269 = memref.load %arg10[%swap3A_268] : memref<128xi32, #tpu.memory_space<smem>>
        memref.store %squeeze3A_263, %arg10[%swap3A_268] : memref<128xi32, #tpu.memory_space<smem>>
        %get3A_270 = arith.index_cast %squeeze3A_263 : i32 to index
        %get3A_271 = memref.load %arg12[%get3A_270] : memref<16xi32, #tpu.memory_space<smem>>
        %add3A_272 = arith.constant 1 : i32
        %add3A_273 = arith.addi %get3A_271, %add3A_272 : i32
        %swap3A_274 = arith.index_cast %squeeze3A_263 : i32 to index
        %swap3A_275 = memref.load %arg12[%swap3A_274] : memref<16xi32, #tpu.memory_space<smem>>
        memref.store %add3A_273, %arg12[%swap3A_274] : memref<16xi32, #tpu.memory_space<smem>>
        %slice3A_276 = vector.extract_strided_slice %get3A_152 {offsets = [9], sizes = [1], strides = [1]} : vector<16xi32> to vector<1xi32>
        %squeeze3A_277 = vector.extract %slice3A_276[0] : i32 from vector<1xi32>
        %mul3A_278 = arith.constant 16 : i32
        %mul3A_279 = arith.muli %mul3A_278, %scan3A_147 : i32
        %add3A_280 = arith.constant 9 : i32
        %add3A_281 = arith.addi %mul3A_279, %add3A_280 : i32
        %swap3A_282 = arith.index_cast %add3A_281 : i32 to index
        %swap3A_283 = memref.load %arg10[%swap3A_282] : memref<128xi32, #tpu.memory_space<smem>>
        memref.store %squeeze3A_277, %arg10[%swap3A_282] : memref<128xi32, #tpu.memory_space<smem>>
        %get3A_284 = arith.index_cast %squeeze3A_277 : i32 to index
        %get3A_285 = memref.load %arg12[%get3A_284] : memref<16xi32, #tpu.memory_space<smem>>
        %add3A_286 = arith.constant 1 : i32
        %add3A_287 = arith.addi %get3A_285, %add3A_286 : i32
        %swap3A_288 = arith.index_cast %squeeze3A_277 : i32 to index
        %swap3A_289 = memref.load %arg12[%swap3A_288] : memref<16xi32, #tpu.memory_space<smem>>
        memref.store %add3A_287, %arg12[%swap3A_288] : memref<16xi32, #tpu.memory_space<smem>>
        %slice3A_290 = vector.extract_strided_slice %get3A_152 {offsets = [10], sizes = [1], strides = [1]} : vector<16xi32> to vector<1xi32>
        %squeeze3A_291 = vector.extract %slice3A_290[0] : i32 from vector<1xi32>
        %mul3A_292 = arith.constant 16 : i32
        %mul3A_293 = arith.muli %mul3A_292, %scan3A_147 : i32
        %add3A_294 = arith.constant 10 : i32
        %add3A_295 = arith.addi %mul3A_293, %add3A_294 : i32
        %swap3A_296 = arith.index_cast %add3A_295 : i32 to index
        %swap3A_297 = memref.load %arg10[%swap3A_296] : memref<128xi32, #tpu.memory_space<smem>>
        memref.store %squeeze3A_291, %arg10[%swap3A_296] : memref<128xi32, #tpu.memory_space<smem>>
        %get3A_298 = arith.index_cast %squeeze3A_291 : i32 to index
        %get3A_299 = memref.load %arg12[%get3A_298] : memref<16xi32, #tpu.memory_space<smem>>
        %add3A_300 = arith.constant 1 : i32
        %add3A_301 = arith.addi %get3A_299, %add3A_300 : i32
        %swap3A_302 = arith.index_cast %squeeze3A_291 : i32 to index
        %swap3A_303 = memref.load %arg12[%swap3A_302] : memref<16xi32, #tpu.memory_space<smem>>
        memref.store %add3A_301, %arg12[%swap3A_302] : memref<16xi32, #tpu.memory_space<smem>>
        %slice3A_304 = vector.extract_strided_slice %get3A_152 {offsets = [11], sizes = [1], strides = [1]} : vector<16xi32> to vector<1xi32>
        %squeeze3A_305 = vector.extract %slice3A_304[0] : i32 from vector<1xi32>
        %mul3A_306 = arith.constant 16 : i32
        %mul3A_307 = arith.muli %mul3A_306, %scan3A_147 : i32
        %add3A_308 = arith.constant 11 : i32
        %add3A_309 = arith.addi %mul3A_307, %add3A_308 : i32
        %swap3A_310 = arith.index_cast %add3A_309 : i32 to index
        %swap3A_311 = memref.load %arg10[%swap3A_310] : memref<128xi32, #tpu.memory_space<smem>>
        memref.store %squeeze3A_305, %arg10[%swap3A_310] : memref<128xi32, #tpu.memory_space<smem>>
        %get3A_312 = arith.index_cast %squeeze3A_305 : i32 to index
        %get3A_313 = memref.load %arg12[%get3A_312] : memref<16xi32, #tpu.memory_space<smem>>
        %add3A_314 = arith.constant 1 : i32
        %add3A_315 = arith.addi %get3A_313, %add3A_314 : i32
        %swap3A_316 = arith.index_cast %squeeze3A_305 : i32 to index
        %swap3A_317 = memref.load %arg12[%swap3A_316] : memref<16xi32, #tpu.memory_space<smem>>
        memref.store %add3A_315, %arg12[%swap3A_316] : memref<16xi32, #tpu.memory_space<smem>>
        %slice3A_318 = vector.extract_strided_slice %get3A_152 {offsets = [12], sizes = [1], strides = [1]} : vector<16xi32> to vector<1xi32>
        %squeeze3A_319 = vector.extract %slice3A_318[0] : i32 from vector<1xi32>
        %mul3A_320 = arith.constant 16 : i32
        %mul3A_321 = arith.muli %mul3A_320, %scan3A_147 : i32
        %add3A_322 = arith.constant 12 : i32
        %add3A_323 = arith.addi %mul3A_321, %add3A_322 : i32
        %swap3A_324 = arith.index_cast %add3A_323 : i32 to index
        %swap3A_325 = memref.load %arg10[%swap3A_324] : memref<128xi32, #tpu.memory_space<smem>>
        memref.store %squeeze3A_319, %arg10[%swap3A_324] : memref<128xi32, #tpu.memory_space<smem>>
        %get3A_326 = arith.index_cast %squeeze3A_319 : i32 to index
        %get3A_327 = memref.load %arg12[%get3A_326] : memref<16xi32, #tpu.memory_space<smem>>
        %add3A_328 = arith.constant 1 : i32
        %add3A_329 = arith.addi %get3A_327, %add3A_328 : i32
        %swap3A_330 = arith.index_cast %squeeze3A_319 : i32 to index
        %swap3A_331 = memref.load %arg12[%swap3A_330] : memref<16xi32, #tpu.memory_space<smem>>
        memref.store %add3A_329, %arg12[%swap3A_330] : memref<16xi32, #tpu.memory_space<smem>>
        %slice3A_332 = vector.extract_strided_slice %get3A_152 {offsets = [13], sizes = [1], strides = [1]} : vector<16xi32> to vector<1xi32>
        %squeeze3A_333 = vector.extract %slice3A_332[0] : i32 from vector<1xi32>
        %mul3A_334 = arith.constant 16 : i32
        %mul3A_335 = arith.muli %mul3A_334, %scan3A_147 : i32
        %add3A_336 = arith.constant 13 : i32
        %add3A_337 = arith.addi %mul3A_335, %add3A_336 : i32
        %swap3A_338 = arith.index_cast %add3A_337 : i32 to index
        %swap3A_339 = memref.load %arg10[%swap3A_338] : memref<128xi32, #tpu.memory_space<smem>>
        memref.store %squeeze3A_333, %arg10[%swap3A_338] : memref<128xi32, #tpu.memory_space<smem>>
        %get3A_340 = arith.index_cast %squeeze3A_333 : i32 to index
        %get3A_341 = memref.load %arg12[%get3A_340] : memref<16xi32, #tpu.memory_space<smem>>
        %add3A_342 = arith.constant 1 : i32
        %add3A_343 = arith.addi %get3A_341, %add3A_342 : i32
        %swap3A_344 = arith.index_cast %squeeze3A_333 : i32 to index
        %swap3A_345 = memref.load %arg12[%swap3A_344] : memref<16xi32, #tpu.memory_space<smem>>
        memref.store %add3A_343, %arg12[%swap3A_344] : memref<16xi32, #tpu.memory_space<smem>>
        %slice3A_346 = vector.extract_strided_slice %get3A_152 {offsets = [14], sizes = [1], strides = [1]} : vector<16xi32> to vector<1xi32>
        %squeeze3A_347 = vector.extract %slice3A_346[0] : i32 from vector<1xi32>
        %mul3A_348 = arith.constant 16 : i32
        %mul3A_349 = arith.muli %mul3A_348, %scan3A_147 : i32
        %add3A_350 = arith.constant 14 : i32
        %add3A_351 = arith.addi %mul3A_349, %add3A_350 : i32
        %swap3A_352 = arith.index_cast %add3A_351 : i32 to index
        %swap3A_353 = memref.load %arg10[%swap3A_352] : memref<128xi32, #tpu.memory_space<smem>>
        memref.store %squeeze3A_347, %arg10[%swap3A_352] : memref<128xi32, #tpu.memory_space<smem>>
        %get3A_354 = arith.index_cast %squeeze3A_347 : i32 to index
        %get3A_355 = memref.load %arg12[%get3A_354] : memref<16xi32, #tpu.memory_space<smem>>
        %add3A_356 = arith.constant 1 : i32
        %add3A_357 = arith.addi %get3A_355, %add3A_356 : i32
        %swap3A_358 = arith.index_cast %squeeze3A_347 : i32 to index
        %swap3A_359 = memref.load %arg12[%swap3A_358] : memref<16xi32, #tpu.memory_space<smem>>
        memref.store %add3A_357, %arg12[%swap3A_358] : memref<16xi32, #tpu.memory_space<smem>>
        %slice3A_360 = vector.extract_strided_slice %get3A_152 {offsets = [15], sizes = [1], strides = [1]} : vector<16xi32> to vector<1xi32>
        %squeeze3A_361 = vector.extract %slice3A_360[0] : i32 from vector<1xi32>
        %mul3A_362 = arith.constant 16 : i32
        %mul3A_363 = arith.muli %mul3A_362, %scan3A_147 : i32
        %add3A_364 = arith.constant 15 : i32
        %add3A_365 = arith.addi %mul3A_363, %add3A_364 : i32
        %swap3A_366 = arith.index_cast %add3A_365 : i32 to index
        %swap3A_367 = memref.load %arg10[%swap3A_366] : memref<128xi32, #tpu.memory_space<smem>>
        memref.store %squeeze3A_361, %arg10[%swap3A_366] : memref<128xi32, #tpu.memory_space<smem>>
        %get3A_368 = arith.index_cast %squeeze3A_361 : i32 to index
        %get3A_369 = memref.load %arg12[%get3A_368] : memref<16xi32, #tpu.memory_space<smem>>
        %add3A_370 = arith.constant 1 : i32
        %add3A_371 = arith.addi %get3A_369, %add3A_370 : i32
        %swap3A_372 = arith.index_cast %squeeze3A_361 : i32 to index
        %swap3A_373 = memref.load %arg12[%swap3A_372] : memref<16xi32, #tpu.memory_space<smem>>
        memref.store %add3A_371, %arg12[%swap3A_372] : memref<16xi32, #tpu.memory_space<smem>>
      }
      %scan3A_106 = arith.constant 8 : i32
      %scan3A_107 = arith.constant 0 : i32
      %scan3A_108 = arith.constant 0 : i32
      %scan3A_109 = arith.constant 13 : i32
      %scan3A_110 = arith.addi %scan3A_108, %scan3A_109 : i32
      %scan3A_111 = arith.constant 1 : i32
      %scan3A_112 = scf.for %scan3A_147 = %scan3A_108 to %scan3A_110 step %scan3A_111 iter_args(%scan3A_148 = %scan3A_107) -> (i32)  : i32 {
        %swap3A = arith.index_cast %scan3A_147 : i32 to index
        %swap3A_149 = memref.load %arg13[%swap3A] : memref<16xi32, #tpu.memory_space<smem>>
        memref.store %scan3A_148, %arg13[%swap3A] : memref<16xi32, #tpu.memory_space<smem>>
        %swap3A_150 = arith.index_cast %scan3A_147 : i32 to index
        %swap3A_151 = memref.load %arg14[%swap3A_150] : memref<16xi32, #tpu.memory_space<smem>>
        memref.store %scan3A_148, %arg14[%swap3A_150] : memref<16xi32, #tpu.memory_space<smem>>
        %get3A = arith.index_cast %scan3A_147 : i32 to index
        %get3A_152 = memref.load %arg12[%get3A] : memref<16xi32, #tpu.memory_space<smem>>
        %add3A_153 = arith.addi %scan3A_148, %get3A_152 : i32
        scf.yield %add3A_153 : i32
      }
      %scan3A_113 = arith.constant 13 : i32
      %scan3A_114 = arith.constant 0 : i32
      %scan3A_115 = arith.constant 0 : i32
      %scan3A_116 = arith.constant 128 : i32
      %scan3A_117 = arith.addi %scan3A_115, %scan3A_116 : i32
      %scan3A_118 = arith.constant 1 : i32
      scf.for %scan3A_147 = %scan3A_115 to %scan3A_117 step %scan3A_118  : i32 {
        %get3A = arith.index_cast %scan3A_147 : i32 to index
        %get3A_148 = memref.load %arg10[%get3A] : memref<128xi32, #tpu.memory_space<smem>>
        %get3A_149 = arith.index_cast %get3A_148 : i32 to index
        %get3A_150 = memref.load %arg14[%get3A_149] : memref<16xi32, #tpu.memory_space<smem>>
        %swap3A = arith.index_cast %get3A_150 : i32 to index
        %swap3A_151 = memref.load %arg11[%swap3A] : memref<128xi32, #tpu.memory_space<smem>>
        memref.store %scan3A_147, %arg11[%swap3A] : memref<128xi32, #tpu.memory_space<smem>>
        %add3A_152 = arith.constant 1 : i32
        %add3A_153 = arith.addi %get3A_150, %add3A_152 : i32
        %swap3A_154 = arith.index_cast %get3A_148 : i32 to index
        %swap3A_155 = memref.load %arg14[%swap3A_154] : memref<16xi32, #tpu.memory_space<smem>>
        memref.store %add3A_153, %arg14[%swap3A_154] : memref<16xi32, #tpu.memory_space<smem>>
      }
      %scan3A_119 = arith.constant 128 : i32
      %dma_wait3A_120 = arith.constant 0 : i32
      %dma_wait3A_121 = arith.constant 0 : i32
      %dma_wait3A_122 = tpu.memref_slice %arg6[%select_n3A_83, %dma_wait3A_120, %dma_wait3A_121] : memref<2x128x256xf32, #tpu.memory_space<vmem>> -> memref<1x128x256xf32, #tpu.memory_space<vmem>>
      %dma_wait3A_123 = tpu.memref_squeeze %dma_wait3A_122 : memref<1x128x256xf32, #tpu.memory_space<vmem>> -> memref<128x256xf32, #tpu.memory_space<vmem>>
      %dma_wait3A_124 = arith.constant 0 : i32
      %dma_wait3A_125 = arith.constant 0 : i32
      %dma_wait3A_126 = tpu.memref_slice %arg2[%dma_wait3A_124, %dma_wait3A_125] : memref<65536x256xf32, #tpu.memory_space<hbm>> -> memref<128x256xf32, #tpu.memory_space<hbm>>
      %dma_wait3A_127 = tpu.memref_slice %arg15[%select_n3A_83] : memref<2x!tpu.dma_semaphore, #tpu.memory_space<semaphore_mem>> -> memref<1x!tpu.dma_semaphore, #tpu.memory_space<semaphore_mem>>
      %dma_wait3A_128 = tpu.memref_squeeze %dma_wait3A_127 : memref<1x!tpu.dma_semaphore, #tpu.memory_space<semaphore_mem>> -> memref<!tpu.dma_semaphore, #tpu.memory_space<semaphore_mem>>
      %dma_wait3A_129 = arith.constant 0 : i32
      %dma_wait3A_130 = arith.constant 0 : i32
      %dma_wait3A_131 = tpu.memref_slice %arg6[%select_n3A_83, %dma_wait3A_129, %dma_wait3A_130] : memref<2x128x256xf32, #tpu.memory_space<vmem>> -> memref<1x128x256xf32, #tpu.memory_space<vmem>>
      %dma_wait3A_132 = tpu.memref_squeeze %dma_wait3A_131 : memref<1x128x256xf32, #tpu.memory_space<vmem>> -> memref<128x256xf32, #tpu.memory_space<vmem>>
      %dma_wait3A_133 = arith.constant 0 : i32
      %dma_wait3A_134 = arith.constant 0 : i32
      %dma_wait3A_135 = tpu.memref_slice %arg2[%dma_wait3A_133, %dma_wait3A_134] : memref<65536x256xf32, #tpu.memory_space<hbm>> -> memref<128x256xf32, #tpu.memory_space<hbm>>
      tpu.wait_dma2 semaphore(%dma_wait3A_128 : memref<!tpu.dma_semaphore, #tpu.memory_space<semaphore_mem>>) src(%dma_wait3A_135 : memref<128x256xf32, #tpu.memory_space<hbm>>) dst(%dma_wait3A_132 : memref<128x256xf32, #tpu.memory_space<vmem>>)
      %scan3A_136 = arith.constant 0 : i32
      %scan3A_137 = arith.constant 0 : i32
      %scan3A_138 = arith.constant 13 : i32
      %scan3A_139 = arith.addi %scan3A_137, %scan3A_138 : i32
      %scan3A_140 = arith.constant 1 : i32
      scf.for %scan3A_147 = %scan3A_137 to %scan3A_139 step %scan3A_140  : i32 {
        %get3A = arith.index_cast %scan3A_147 : i32 to index
        %get3A_148 = memref.load %arg12[%get3A] : memref<16xi32, #tpu.memory_space<smem>>
        %get3A_149 = arith.index_cast %scan3A_147 : i32 to index
        %get3A_150 = memref.load %arg13[%get3A_149] : memref<16xi32, #tpu.memory_space<smem>>
        %while3A = arith.constant 0 : i32
        %while3A_151 = arith.subi %get3A_148, %while3A : i32
        %while3A_152 = arith.addi %while3A, %while3A_151 : i32
        %while3A_153 = arith.constant 1 : i32
        %while3A_154 = arith.divsi %while3A_151, %while3A_153 : i32
        %while3A_155 = arith.muli %while3A_154, %while3A_153 : i32
        %while3A_156 = arith.addi %while3A, %while3A_155 : i32
        %while3A_157 = arith.constant 1 : i32
        %while3A_158:20 = scf.for %while3A_346 = %while3A to %while3A_156 step %while3A_157 iter_args(%while3A_347 = %broadcast_in_dim3A_3, %while3A_348 = %broadcast_in_dim3A_3, %while3A_349 = %broadcast_in_dim3A_3, %while3A_350 = %broadcast_in_dim3A_3, %while3A_351 = %broadcast_in_dim3A_3, %while3A_352 = %broadcast_in_dim3A_3, %while3A_353 = %broadcast_in_dim3A_3, %while3A_354 = %broadcast_in_dim3A_3, %while3A_355 = %broadcast_in_dim3A_3, %while3A_356 = %broadcast_in_dim3A_3, %while3A_357 = %broadcast_in_dim3A_3, %while3A_358 = %broadcast_in_dim3A_3, %while3A_359 = %broadcast_in_dim3A_3, %while3A_360 = %broadcast_in_dim3A_3, %while3A_361 = %broadcast_in_dim3A_3, %while3A_362 = %broadcast_in_dim3A_3, %while3A_363 = %broadcast_in_dim3A_3, %while3A_364 = %broadcast_in_dim3A_3, %while3A_365 = %broadcast_in_dim3A_3, %while3A_366 = %broadcast_in_dim3A_3) -> (vector<16xf32>, vector<16xf32>, vector<16xf32>, vector<16xf32>, vector<16xf32>, vector<16xf32>, vector<16xf32>, vector<16xf32>, vector<16xf32>, vector<16xf32>, vector<16xf32>, vector<16xf32>, vector<16xf32>, vector<16xf32>, vector<16xf32>, vector<16xf32>, vector<16xf32>, vector<16xf32>, vector<16xf32>, vector<16xf32>)  : i32 {
          %add3A_367 = arith.addi %get3A_150, %while3A_346 : i32
          %get3A_368 = arith.index_cast %add3A_367 : i32 to index
          %get3A_369 = memref.load %arg11[%get3A_368] : memref<128xi32, #tpu.memory_space<smem>>
          %get3A_370 = arith.index_cast %select_n3A_83 : i32 to index
          %get3A_371 = arith.index_cast %get3A_369 : i32 to index
          %get3A_372 = arith.constant 0 : index
          %get3A_373 = tpu.vector_load %arg6[%get3A_370, %get3A_371, %get3A_372] {strides = array<i32>} : memref<2x128x256xf32, #tpu.memory_space<vmem>>, vector<1x1x16xf32>,
          %get3A_374 = vector.shape_cast %get3A_373 : vector<1x1x16xf32> to vector<16xf32>
          %get3A_375 = arith.index_cast %select_n3A_83 : i32 to index
          %get3A_376 = arith.index_cast %get3A_369 : i32 to index
          %get3A_377 = arith.constant 16 : index
          %get3A_378 = tpu.vector_load %arg6[%get3A_375, %get3A_376, %get3A_377] {strides = array<i32>} : memref<2x128x256xf32, #tpu.memory_space<vmem>>, vector<1x1x16xf32>,
          %get3A_379 = vector.shape_cast %get3A_378 : vector<1x1x16xf32> to vector<16xf32>
          %get3A_380 = arith.index_cast %select_n3A_83 : i32 to index
          %get3A_381 = arith.index_cast %get3A_369 : i32 to index
          %get3A_382 = arith.constant 32 : index
          %get3A_383 = tpu.vector_load %arg6[%get3A_380, %get3A_381, %get3A_382] {strides = array<i32>} : memref<2x128x256xf32, #tpu.memory_space<vmem>>, vector<1x1x16xf32>,
          %get3A_384 = vector.shape_cast %get3A_383 : vector<1x1x16xf32> to vector<16xf32>
          %get3A_385 = arith.index_cast %select_n3A_83 : i32 to index
          %get3A_386 = arith.index_cast %get3A_369 : i32 to index
          %get3A_387 = arith.constant 48 : index
          %get3A_388 = tpu.vector_load %arg6[%get3A_385, %get3A_386, %get3A_387] {strides = array<i32>} : memref<2x128x256xf32, #tpu.memory_space<vmem>>, vector<1x1x16xf32>,
          %get3A_389 = vector.shape_cast %get3A_388 : vector<1x1x16xf32> to vector<16xf32>
          %get3A_390 = arith.index_cast %select_n3A_83 : i32 to index
          %get3A_391 = arith.index_cast %get3A_369 : i32 to index
          %get3A_392 = arith.constant 64 : index
          %get3A_393 = tpu.vector_load %arg6[%get3A_390, %get3A_391, %get3A_392] {strides = array<i32>} : memref<2x128x256xf32, #tpu.memory_space<vmem>>, vector<1x1x16xf32>,
          %get3A_394 = vector.shape_cast %get3A_393 : vector<1x1x16xf32> to vector<16xf32>
          %get3A_395 = arith.index_cast %select_n3A_83 : i32 to index
          %get3A_396 = arith.index_cast %get3A_369 : i32 to index
          %get3A_397 = arith.constant 80 : index
          %get3A_398 = tpu.vector_load %arg6[%get3A_395, %get3A_396, %get3A_397] {strides = array<i32>} : memref<2x128x256xf32, #tpu.memory_space<vmem>>, vector<1x1x16xf32>,
          %get3A_399 = vector.shape_cast %get3A_398 : vector<1x1x16xf32> to vector<16xf32>
          %get3A_400 = arith.index_cast %select_n3A_83 : i32 to index
          %get3A_401 = arith.index_cast %get3A_369 : i32 to index
          %get3A_402 = arith.constant 96 : index
          %get3A_403 = tpu.vector_load %arg6[%get3A_400, %get3A_401, %get3A_402] {strides = array<i32>} : memref<2x128x256xf32, #tpu.memory_space<vmem>>, vector<1x1x16xf32>,
          %get3A_404 = vector.shape_cast %get3A_403 : vector<1x1x16xf32> to vector<16xf32>
          %get3A_405 = arith.index_cast %select_n3A_83 : i32 to index
          %get3A_406 = arith.index_cast %get3A_369 : i32 to index
          %get3A_407 = arith.constant 112 : index
          %get3A_408 = tpu.vector_load %arg6[%get3A_405, %get3A_406, %get3A_407] {strides = array<i32>} : memref<2x128x256xf32, #tpu.memory_space<vmem>>, vector<1x1x16xf32>,
          %get3A_409 = vector.shape_cast %get3A_408 : vector<1x1x16xf32> to vector<16xf32>
          %get3A_410 = arith.index_cast %select_n3A_83 : i32 to index
          %get3A_411 = arith.index_cast %get3A_369 : i32 to index
          %get3A_412 = arith.constant 128 : index
          %get3A_413 = tpu.vector_load %arg6[%get3A_410, %get3A_411, %get3A_412] {strides = array<i32>} : memref<2x128x256xf32, #tpu.memory_space<vmem>>, vector<1x1x16xf32>,
          %get3A_414 = vector.shape_cast %get3A_413 : vector<1x1x16xf32> to vector<16xf32>
          %get3A_415 = arith.index_cast %select_n3A_83 : i32 to index
          %get3A_416 = arith.index_cast %get3A_369 : i32 to index
          %get3A_417 = arith.constant 144 : index
          %get3A_418 = tpu.vector_load %arg6[%get3A_415, %get3A_416, %get3A_417] {strides = array<i32>} : memref<2x128x256xf32, #tpu.memory_space<vmem>>, vector<1x1x16xf32>,
          %get3A_419 = vector.shape_cast %get3A_418 : vector<1x1x16xf32> to vector<16xf32>
          %get3A_420 = arith.index_cast %select_n3A_83 : i32 to index
          %get3A_421 = arith.index_cast %get3A_369 : i32 to index
          %get3A_422 = arith.constant 160 : index
          %get3A_423 = tpu.vector_load %arg6[%get3A_420, %get3A_421, %get3A_422] {strides = array<i32>} : memref<2x128x256xf32, #tpu.memory_space<vmem>>, vector<1x1x16xf32>,
          %get3A_424 = vector.shape_cast %get3A_423 : vector<1x1x16xf32> to vector<16xf32>
          %get3A_425 = arith.index_cast %select_n3A_83 : i32 to index
          %get3A_426 = arith.index_cast %get3A_369 : i32 to index
          %get3A_427 = arith.constant 176 : index
          %get3A_428 = tpu.vector_load %arg6[%get3A_425, %get3A_426, %get3A_427] {strides = array<i32>} : memref<2x128x256xf32, #tpu.memory_space<vmem>>, vector<1x1x16xf32>,
          %get3A_429 = vector.shape_cast %get3A_428 : vector<1x1x16xf32> to vector<16xf32>
          %get3A_430 = arith.index_cast %select_n3A_83 : i32 to index
          %get3A_431 = arith.index_cast %get3A_369 : i32 to index
          %get3A_432 = arith.constant 192 : index
          %get3A_433 = tpu.vector_load %arg6[%get3A_430, %get3A_431, %get3A_432] {strides = array<i32>} : memref<2x128x256xf32, #tpu.memory_space<vmem>>, vector<1x1x16xf32>,
          %get3A_434 = vector.shape_cast %get3A_433 : vector<1x1x16xf32> to vector<16xf32>
          %get3A_435 = arith.index_cast %select_n3A_83 : i32 to index
          %get3A_436 = arith.index_cast %get3A_369 : i32 to index
          %get3A_437 = arith.constant 208 : index
          %get3A_438 = tpu.vector_load %arg6[%get3A_435, %get3A_436, %get3A_437] {strides = array<i32>} : memref<2x128x256xf32, #tpu.memory_space<vmem>>, vector<1x1x16xf32>,
          %get3A_439 = vector.shape_cast %get3A_438 : vector<1x1x16xf32> to vector<16xf32>
          %get3A_440 = arith.index_cast %select_n3A_83 : i32 to index
          %get3A_441 = arith.index_cast %get3A_369 : i32 to index
          %get3A_442 = arith.constant 224 : index
          %get3A_443 = tpu.vector_load %arg6[%get3A_440, %get3A_441, %get3A_442] {strides = array<i32>} : memref<2x128x256xf32, #tpu.memory_space<vmem>>, vector<1x1x16xf32>,
          %get3A_444 = vector.shape_cast %get3A_443 : vector<1x1x16xf32> to vector<16xf32>
          %get3A_445 = arith.index_cast %select_n3A_83 : i32 to index
          %get3A_446 = arith.index_cast %get3A_369 : i32 to index
          %get3A_447 = arith.constant 240 : index
          %get3A_448 = tpu.vector_load %arg6[%get3A_445, %get3A_446, %get3A_447] {strides = array<i32>} : memref<2x128x256xf32, #tpu.memory_space<vmem>>, vector<1x1x16xf32>,
          %get3A_449 = vector.shape_cast %get3A_448 : vector<1x1x16xf32> to vector<16xf32>
          %add3A_450 = arith.addf %while3A_347, %get3A_374 : vector<16xf32>
          %add3A_451 = arith.addf %while3A_348, %get3A_379 : vector<16xf32>
          %add3A_452 = arith.addf %while3A_349, %get3A_384 : vector<16xf32>
          %add3A_453 = arith.addf %while3A_350, %get3A_389 : vector<16xf32>
          %add3A_454 = arith.addf %while3A_351, %get3A_394 : vector<16xf32>
          %add3A_455 = arith.addf %while3A_352, %get3A_399 : vector<16xf32>
          %add3A_456 = arith.addf %while3A_353, %get3A_404 : vector<16xf32>
          %add3A_457 = arith.addf %while3A_354, %get3A_409 : vector<16xf32>
          %add3A_458 = arith.addf %while3A_355, %get3A_414 : vector<16xf32>
          %add3A_459 = arith.addf %while3A_356, %get3A_419 : vector<16xf32>
          %add3A_460 = arith.addf %while3A_357, %get3A_424 : vector<16xf32>
          %add3A_461 = arith.addf %while3A_358, %get3A_429 : vector<16xf32>
          %add3A_462 = arith.addf %while3A_359, %get3A_434 : vector<16xf32>
          %add3A_463 = arith.addf %while3A_360, %get3A_439 : vector<16xf32>
          %add3A_464 = arith.addf %while3A_361, %get3A_444 : vector<16xf32>
          %add3A_465 = arith.addf %while3A_362, %get3A_449 : vector<16xf32>
          %mul3A_466 = arith.mulf %get3A_374, %get3A_374 : vector<16xf32>
          %add3A_467 = arith.addf %while3A_363, %mul3A_466 : vector<16xf32>
          %mul3A_468 = arith.mulf %get3A_379, %get3A_379 : vector<16xf32>
          %add3A_469 = arith.addf %while3A_364, %mul3A_468 : vector<16xf32>
          %mul3A_470 = arith.mulf %get3A_384, %get3A_384 : vector<16xf32>
          %add3A_471 = arith.addf %while3A_365, %mul3A_470 : vector<16xf32>
          %mul3A_472 = arith.mulf %get3A_389, %get3A_389 : vector<16xf32>
          %add3A_473 = arith.addf %while3A_366, %mul3A_472 : vector<16xf32>
          %mul3A_474 = arith.mulf %get3A_394, %get3A_394 : vector<16xf32>
          %add3A_475 = arith.addf %add3A_467, %mul3A_474 : vector<16xf32>
          %mul3A_476 = arith.mulf %get3A_399, %get3A_399 : vector<16xf32>
          %add3A_477 = arith.addf %add3A_469, %mul3A_476 : vector<16xf32>
          %mul3A_478 = arith.mulf %get3A_404, %get3A_404 : vector<16xf32>
          %add3A_479 = arith.addf %add3A_471, %mul3A_478 : vector<16xf32>
          %mul3A_480 = arith.mulf %get3A_409, %get3A_409 : vector<16xf32>
          %add3A_481 = arith.addf %add3A_473, %mul3A_480 : vector<16xf32>
          %mul3A_482 = arith.mulf %get3A_414, %get3A_414 : vector<16xf32>
          %add3A_483 = arith.addf %add3A_475, %mul3A_482 : vector<16xf32>
          %mul3A_484 = arith.mulf %get3A_419, %get3A_419 : vector<16xf32>
          %add3A_485 = arith.addf %add3A_477, %mul3A_484 : vector<16xf32>
          %mul3A_486 = arith.mulf %get3A_424, %get3A_424 : vector<16xf32>
          %add3A_487 = arith.addf %add3A_479, %mul3A_486 : vector<16xf32>
          %mul3A_488 = arith.mulf %get3A_429, %get3A_429 : vector<16xf32>
          %add3A_489 = arith.addf %add3A_481, %mul3A_488 : vector<16xf32>
          %mul3A_490 = arith.mulf %get3A_434, %get3A_434 : vector<16xf32>
          %add3A_491 = arith.addf %add3A_483, %mul3A_490 : vector<16xf32>
          %mul3A_492 = arith.mulf %get3A_439, %get3A_439 : vector<16xf32>
          %add3A_493 = arith.addf %add3A_485, %mul3A_492 : vector<16xf32>
          %mul3A_494 = arith.mulf %get3A_444, %get3A_444 : vector<16xf32>
          %add3A_495 = arith.addf %add3A_487, %mul3A_494 : vector<16xf32>
          %mul3A_496 = arith.mulf %get3A_449, %get3A_449 : vector<16xf32>
          %add3A_497 = arith.addf %add3A_489, %mul3A_496 : vector<16xf32>
          scf.yield %add3A_450, %add3A_451, %add3A_452, %add3A_453, %add3A_454, %add3A_455, %add3A_456, %add3A_457, %add3A_458, %add3A_459, %add3A_460, %add3A_461, %add3A_462, %add3A_463, %add3A_464, %add3A_465, %add3A_491, %add3A_493, %add3A_495, %add3A_497 : vector<16xf32>, vector<16xf32>, vector<16xf32>, vector<16xf32>, vector<16xf32>, vector<16xf32>, vector<16xf32>, vector<16xf32>, vector<16xf32>, vector<16xf32>, vector<16xf32>, vector<16xf32>, vector<16xf32>, vector<16xf32>, vector<16xf32>, vector<16xf32>, vector<16xf32>, vector<16xf32>, vector<16xf32>, vector<16xf32>
        }
        %while3A_159 = arith.constant 1 : i32
        %while3A_160:20 = scf.for %while3A_346 = %while3A_156 to %while3A_152 step %while3A_159 iter_args(%while3A_347 = %while3A_158#0, %while3A_348 = %while3A_158#1, %while3A_349 = %while3A_158#2, %while3A_350 = %while3A_158#3, %while3A_351 = %while3A_158#4, %while3A_352 = %while3A_158#5, %while3A_353 = %while3A_158#6, %while3A_354 = %while3A_158#7, %while3A_355 = %while3A_158#8, %while3A_356 = %while3A_158#9, %while3A_357 = %while3A_158#10, %while3A_358 = %while3A_158#11, %while3A_359 = %while3A_158#12, %while3A_360 = %while3A_158#13, %while3A_361 = %while3A_158#14, %while3A_362 = %while3A_158#15, %while3A_363 = %while3A_158#16, %while3A_364 = %while3A_158#17, %while3A_365 = %while3A_158#18, %while3A_366 = %while3A_158#19) -> (vector<16xf32>, vector<16xf32>, vector<16xf32>, vector<16xf32>, vector<16xf32>, vector<16xf32>, vector<16xf32>, vector<16xf32>, vector<16xf32>, vector<16xf32>, vector<16xf32>, vector<16xf32>, vector<16xf32>, vector<16xf32>, vector<16xf32>, vector<16xf32>, vector<16xf32>, vector<16xf32>, vector<16xf32>, vector<16xf32>)  : i32 {
          %add3A_367 = arith.addi %get3A_150, %while3A_346 : i32
          %get3A_368 = arith.index_cast %add3A_367 : i32 to index
          %get3A_369 = memref.load %arg11[%get3A_368] : memref<128xi32, #tpu.memory_space<smem>>
          %get3A_370 = arith.index_cast %select_n3A_83 : i32 to index
          %get3A_371 = arith.index_cast %get3A_369 : i32 to index
          %get3A_372 = arith.constant 0 : index
          %get3A_373 = tpu.vector_load %arg6[%get3A_370, %get3A_371, %get3A_372] {strides = array<i32>} : memref<2x128x256xf32, #tpu.memory_space<vmem>>, vector<1x1x16xf32>,
          %get3A_374 = vector.shape_cast %get3A_373 : vector<1x1x16xf32> to vector<16xf32>
          %get3A_375 = arith.index_cast %select_n3A_83 : i32 to index
          %get3A_376 = arith.index_cast %get3A_369 : i32 to index
          %get3A_377 = arith.constant 16 : index
          %get3A_378 = tpu.vector_load %arg6[%get3A_375, %get3A_376, %get3A_377] {strides = array<i32>} : memref<2x128x256xf32, #tpu.memory_space<vmem>>, vector<1x1x16xf32>,
          %get3A_379 = vector.shape_cast %get3A_378 : vector<1x1x16xf32> to vector<16xf32>
          %get3A_380 = arith.index_cast %select_n3A_83 : i32 to index
          %get3A_381 = arith.index_cast %get3A_369 : i32 to index
          %get3A_382 = arith.constant 32 : index
          %get3A_383 = tpu.vector_load %arg6[%get3A_380, %get3A_381, %get3A_382] {strides = array<i32>} : memref<2x128x256xf32, #tpu.memory_space<vmem>>, vector<1x1x16xf32>,
          %get3A_384 = vector.shape_cast %get3A_383 : vector<1x1x16xf32> to vector<16xf32>
          %get3A_385 = arith.index_cast %select_n3A_83 : i32 to index
          %get3A_386 = arith.index_cast %get3A_369 : i32 to index
          %get3A_387 = arith.constant 48 : index
          %get3A_388 = tpu.vector_load %arg6[%get3A_385, %get3A_386, %get3A_387] {strides = array<i32>} : memref<2x128x256xf32, #tpu.memory_space<vmem>>, vector<1x1x16xf32>,
          %get3A_389 = vector.shape_cast %get3A_388 : vector<1x1x16xf32> to vector<16xf32>
          %get3A_390 = arith.index_cast %select_n3A_83 : i32 to index
          %get3A_391 = arith.index_cast %get3A_369 : i32 to index
          %get3A_392 = arith.constant 64 : index
          %get3A_393 = tpu.vector_load %arg6[%get3A_390, %get3A_391, %get3A_392] {strides = array<i32>} : memref<2x128x256xf32, #tpu.memory_space<vmem>>, vector<1x1x16xf32>,
          %get3A_394 = vector.shape_cast %get3A_393 : vector<1x1x16xf32> to vector<16xf32>
          %get3A_395 = arith.index_cast %select_n3A_83 : i32 to index
          %get3A_396 = arith.index_cast %get3A_369 : i32 to index
          %get3A_397 = arith.constant 80 : index
          %get3A_398 = tpu.vector_load %arg6[%get3A_395, %get3A_396, %get3A_397] {strides = array<i32>} : memref<2x128x256xf32, #tpu.memory_space<vmem>>, vector<1x1x16xf32>,
          %get3A_399 = vector.shape_cast %get3A_398 : vector<1x1x16xf32> to vector<16xf32>
          %get3A_400 = arith.index_cast %select_n3A_83 : i32 to index
          %get3A_401 = arith.index_cast %get3A_369 : i32 to index
          %get3A_402 = arith.constant 96 : index
          %get3A_403 = tpu.vector_load %arg6[%get3A_400, %get3A_401, %get3A_402] {strides = array<i32>} : memref<2x128x256xf32, #tpu.memory_space<vmem>>, vector<1x1x16xf32>,
          %get3A_404 = vector.shape_cast %get3A_403 : vector<1x1x16xf32> to vector<16xf32>
          %get3A_405 = arith.index_cast %select_n3A_83 : i32 to index
          %get3A_406 = arith.index_cast %get3A_369 : i32 to index
          %get3A_407 = arith.constant 112 : index
          %get3A_408 = tpu.vector_load %arg6[%get3A_405, %get3A_406, %get3A_407] {strides = array<i32>} : memref<2x128x256xf32, #tpu.memory_space<vmem>>, vector<1x1x16xf32>,
          %get3A_409 = vector.shape_cast %get3A_408 : vector<1x1x16xf32> to vector<16xf32>
          %get3A_410 = arith.index_cast %select_n3A_83 : i32 to index
          %get3A_411 = arith.index_cast %get3A_369 : i32 to index
          %get3A_412 = arith.constant 128 : index
          %get3A_413 = tpu.vector_load %arg6[%get3A_410, %get3A_411, %get3A_412] {strides = array<i32>} : memref<2x128x256xf32, #tpu.memory_space<vmem>>, vector<1x1x16xf32>,
          %get3A_414 = vector.shape_cast %get3A_413 : vector<1x1x16xf32> to vector<16xf32>
          %get3A_415 = arith.index_cast %select_n3A_83 : i32 to index
          %get3A_416 = arith.index_cast %get3A_369 : i32 to index
          %get3A_417 = arith.constant 144 : index
          %get3A_418 = tpu.vector_load %arg6[%get3A_415, %get3A_416, %get3A_417] {strides = array<i32>} : memref<2x128x256xf32, #tpu.memory_space<vmem>>, vector<1x1x16xf32>,
          %get3A_419 = vector.shape_cast %get3A_418 : vector<1x1x16xf32> to vector<16xf32>
          %get3A_420 = arith.index_cast %select_n3A_83 : i32 to index
          %get3A_421 = arith.index_cast %get3A_369 : i32 to index
          %get3A_422 = arith.constant 160 : index
          %get3A_423 = tpu.vector_load %arg6[%get3A_420, %get3A_421, %get3A_422] {strides = array<i32>} : memref<2x128x256xf32, #tpu.memory_space<vmem>>, vector<1x1x16xf32>,
          %get3A_424 = vector.shape_cast %get3A_423 : vector<1x1x16xf32> to vector<16xf32>
          %get3A_425 = arith.index_cast %select_n3A_83 : i32 to index
          %get3A_426 = arith.index_cast %get3A_369 : i32 to index
          %get3A_427 = arith.constant 176 : index
          %get3A_428 = tpu.vector_load %arg6[%get3A_425, %get3A_426, %get3A_427] {strides = array<i32>} : memref<2x128x256xf32, #tpu.memory_space<vmem>>, vector<1x1x16xf32>,
          %get3A_429 = vector.shape_cast %get3A_428 : vector<1x1x16xf32> to vector<16xf32>
          %get3A_430 = arith.index_cast %select_n3A_83 : i32 to index
          %get3A_431 = arith.index_cast %get3A_369 : i32 to index
          %get3A_432 = arith.constant 192 : index
          %get3A_433 = tpu.vector_load %arg6[%get3A_430, %get3A_431, %get3A_432] {strides = array<i32>} : memref<2x128x256xf32, #tpu.memory_space<vmem>>, vector<1x1x16xf32>,
          %get3A_434 = vector.shape_cast %get3A_433 : vector<1x1x16xf32> to vector<16xf32>
          %get3A_435 = arith.index_cast %select_n3A_83 : i32 to index
          %get3A_436 = arith.index_cast %get3A_369 : i32 to index
          %get3A_437 = arith.constant 208 : index
          %get3A_438 = tpu.vector_load %arg6[%get3A_435, %get3A_436, %get3A_437] {strides = array<i32>} : memref<2x128x256xf32, #tpu.memory_space<vmem>>, vector<1x1x16xf32>,
          %get3A_439 = vector.shape_cast %get3A_438 : vector<1x1x16xf32> to vector<16xf32>
          %get3A_440 = arith.index_cast %select_n3A_83 : i32 to index
          %get3A_441 = arith.index_cast %get3A_369 : i32 to index
          %get3A_442 = arith.constant 224 : index
          %get3A_443 = tpu.vector_load %arg6[%get3A_440, %get3A_441, %get3A_442] {strides = array<i32>} : memref<2x128x256xf32, #tpu.memory_space<vmem>>, vector<1x1x16xf32>,
          %get3A_444 = vector.shape_cast %get3A_443 : vector<1x1x16xf32> to vector<16xf32>
          %get3A_445 = arith.index_cast %select_n3A_83 : i32 to index
          %get3A_446 = arith.index_cast %get3A_369 : i32 to index
          %get3A_447 = arith.constant 240 : index
          %get3A_448 = tpu.vector_load %arg6[%get3A_445, %get3A_446, %get3A_447] {strides = array<i32>} : memref<2x128x256xf32, #tpu.memory_space<vmem>>, vector<1x1x16xf32>,
          %get3A_449 = vector.shape_cast %get3A_448 : vector<1x1x16xf32> to vector<16xf32>
          %add3A_450 = arith.addf %while3A_347, %get3A_374 : vector<16xf32>
          %add3A_451 = arith.addf %while3A_348, %get3A_379 : vector<16xf32>
          %add3A_452 = arith.addf %while3A_349, %get3A_384 : vector<16xf32>
          %add3A_453 = arith.addf %while3A_350, %get3A_389 : vector<16xf32>
          %add3A_454 = arith.addf %while3A_351, %get3A_394 : vector<16xf32>
          %add3A_455 = arith.addf %while3A_352, %get3A_399 : vector<16xf32>
          %add3A_456 = arith.addf %while3A_353, %get3A_404 : vector<16xf32>
          %add3A_457 = arith.addf %while3A_354, %get3A_409 : vector<16xf32>
          %add3A_458 = arith.addf %while3A_355, %get3A_414 : vector<16xf32>
          %add3A_459 = arith.addf %while3A_356, %get3A_419 : vector<16xf32>
          %add3A_460 = arith.addf %while3A_357, %get3A_424 : vector<16xf32>
          %add3A_461 = arith.addf %while3A_358, %get3A_429 : vector<16xf32>
          %add3A_462 = arith.addf %while3A_359, %get3A_434 : vector<16xf32>
          %add3A_463 = arith.addf %while3A_360, %get3A_439 : vector<16xf32>
          %add3A_464 = arith.addf %while3A_361, %get3A_444 : vector<16xf32>
          %add3A_465 = arith.addf %while3A_362, %get3A_449 : vector<16xf32>
          %mul3A_466 = arith.mulf %get3A_374, %get3A_374 : vector<16xf32>
          %add3A_467 = arith.addf %while3A_363, %mul3A_466 : vector<16xf32>
          %mul3A_468 = arith.mulf %get3A_379, %get3A_379 : vector<16xf32>
          %add3A_469 = arith.addf %while3A_364, %mul3A_468 : vector<16xf32>
          %mul3A_470 = arith.mulf %get3A_384, %get3A_384 : vector<16xf32>
          %add3A_471 = arith.addf %while3A_365, %mul3A_470 : vector<16xf32>
          %mul3A_472 = arith.mulf %get3A_389, %get3A_389 : vector<16xf32>
          %add3A_473 = arith.addf %while3A_366, %mul3A_472 : vector<16xf32>
          %mul3A_474 = arith.mulf %get3A_394, %get3A_394 : vector<16xf32>
          %add3A_475 = arith.addf %add3A_467, %mul3A_474 : vector<16xf32>
          %mul3A_476 = arith.mulf %get3A_399, %get3A_399 : vector<16xf32>
          %add3A_477 = arith.addf %add3A_469, %mul3A_476 : vector<16xf32>
          %mul3A_478 = arith.mulf %get3A_404, %get3A_404 : vector<16xf32>
          %add3A_479 = arith.addf %add3A_471, %mul3A_478 : vector<16xf32>
          %mul3A_480 = arith.mulf %get3A_409, %get3A_409 : vector<16xf32>
          %add3A_481 = arith.addf %add3A_473, %mul3A_480 : vector<16xf32>
          %mul3A_482 = arith.mulf %get3A_414, %get3A_414 : vector<16xf32>
          %add3A_483 = arith.addf %add3A_475, %mul3A_482 : vector<16xf32>
          %mul3A_484 = arith.mulf %get3A_419, %get3A_419 : vector<16xf32>
          %add3A_485 = arith.addf %add3A_477, %mul3A_484 : vector<16xf32>
          %mul3A_486 = arith.mulf %get3A_424, %get3A_424 : vector<16xf32>
          %add3A_487 = arith.addf %add3A_479, %mul3A_486 : vector<16xf32>
          %mul3A_488 = arith.mulf %get3A_429, %get3A_429 : vector<16xf32>
          %add3A_489 = arith.addf %add3A_481, %mul3A_488 : vector<16xf32>
          %mul3A_490 = arith.mulf %get3A_434, %get3A_434 : vector<16xf32>
          %add3A_491 = arith.addf %add3A_483, %mul3A_490 : vector<16xf32>
          %mul3A_492 = arith.mulf %get3A_439, %get3A_439 : vector<16xf32>
          %add3A_493 = arith.addf %add3A_485, %mul3A_492 : vector<16xf32>
          %mul3A_494 = arith.mulf %get3A_444, %get3A_444 : vector<16xf32>
          %add3A_495 = arith.addf %add3A_487, %mul3A_494 : vector<16xf32>
          %mul3A_496 = arith.mulf %get3A_449, %get3A_449 : vector<16xf32>
          %add3A_497 = arith.addf %add3A_489, %mul3A_496 : vector<16xf32>
          scf.yield %add3A_450, %add3A_451, %add3A_452, %add3A_453, %add3A_454, %add3A_455, %add3A_456, %add3A_457, %add3A_458, %add3A_459, %add3A_460, %add3A_461, %add3A_462, %add3A_463, %add3A_464, %add3A_465, %add3A_491, %add3A_493, %add3A_495, %add3A_497 : vector<16xf32>, vector<16xf32>, vector<16xf32>, vector<16xf32>, vector<16xf32>, vector<16xf32>, vector<16xf32>, vector<16xf32>, vector<16xf32>, vector<16xf32>, vector<16xf32>, vector<16xf32>, vector<16xf32>, vector<16xf32>, vector<16xf32>, vector<16xf32>, vector<16xf32>, vector<16xf32>, vector<16xf32>, vector<16xf32>
        }
        %get3A_161 = arith.index_cast %scan3A_147 : i32 to index
        %get3A_162 = arith.constant 0 : index
        %get3A_163 = tpu.vector_load %arg8[%get3A_161, %get3A_162] {strides = array<i32>} : memref<16x256xf32, #tpu.memory_space<vmem>>, vector<1x16xf32>,
        %get3A_164 = vector.shape_cast %get3A_163 : vector<1x16xf32> to vector<16xf32>
        %add3A_165 = arith.addf %get3A_164, %while3A_160#0 : vector<16xf32>
        %swap3A = arith.index_cast %scan3A_147 : i32 to index
        %swap3A_166 = arith.constant 0 : index
        %swap3A_167 = tpu.vector_load %arg8[%swap3A, %swap3A_166] {strides = array<i32>} : memref<16x256xf32, #tpu.memory_space<vmem>>, vector<1x16xf32>,
        %swap3A_168 = vector.shape_cast %swap3A_167 : vector<1x16xf32> to vector<16xf32>
        %swap3A_169 = vector.shape_cast %add3A_165 : vector<16xf32> to vector<1x16xf32>
        tpu.vector_store %arg8[%swap3A, %swap3A_166], %swap3A_169 {strides = array<i32>} : memref<16x256xf32, #tpu.memory_space<vmem>>, vector<1x16xf32>,
        %get3A_170 = arith.index_cast %scan3A_147 : i32 to index
        %get3A_171 = arith.constant 16 : index
        %get3A_172 = tpu.vector_load %arg8[%get3A_170, %get3A_171] {strides = array<i32>} : memref<16x256xf32, #tpu.memory_space<vmem>>, vector<1x16xf32>,
        %get3A_173 = vector.shape_cast %get3A_172 : vector<1x16xf32> to vector<16xf32>
        %add3A_174 = arith.addf %get3A_173, %while3A_160#1 : vector<16xf32>
        %swap3A_175 = arith.index_cast %scan3A_147 : i32 to index
        %swap3A_176 = arith.constant 16 : index
        %swap3A_177 = tpu.vector_load %arg8[%swap3A_175, %swap3A_176] {strides = array<i32>} : memref<16x256xf32, #tpu.memory_space<vmem>>, vector<1x16xf32>,
        %swap3A_178 = vector.shape_cast %swap3A_177 : vector<1x16xf32> to vector<16xf32>
        %swap3A_179 = vector.shape_cast %add3A_174 : vector<16xf32> to vector<1x16xf32>
        tpu.vector_store %arg8[%swap3A_175, %swap3A_176], %swap3A_179 {strides = array<i32>} : memref<16x256xf32, #tpu.memory_space<vmem>>, vector<1x16xf32>,
        %get3A_180 = arith.index_cast %scan3A_147 : i32 to index
        %get3A_181 = arith.constant 32 : index
        %get3A_182 = tpu.vector_load %arg8[%get3A_180, %get3A_181] {strides = array<i32>} : memref<16x256xf32, #tpu.memory_space<vmem>>, vector<1x16xf32>,
        %get3A_183 = vector.shape_cast %get3A_182 : vector<1x16xf32> to vector<16xf32>
        %add3A_184 = arith.addf %get3A_183, %while3A_160#2 : vector<16xf32>
        %swap3A_185 = arith.index_cast %scan3A_147 : i32 to index
        %swap3A_186 = arith.constant 32 : index
        %swap3A_187 = tpu.vector_load %arg8[%swap3A_185, %swap3A_186] {strides = array<i32>} : memref<16x256xf32, #tpu.memory_space<vmem>>, vector<1x16xf32>,
        %swap3A_188 = vector.shape_cast %swap3A_187 : vector<1x16xf32> to vector<16xf32>
        %swap3A_189 = vector.shape_cast %add3A_184 : vector<16xf32> to vector<1x16xf32>
        tpu.vector_store %arg8[%swap3A_185, %swap3A_186], %swap3A_189 {strides = array<i32>} : memref<16x256xf32, #tpu.memory_space<vmem>>, vector<1x16xf32>,
        %get3A_190 = arith.index_cast %scan3A_147 : i32 to index
        %get3A_191 = arith.constant 48 : index
        %get3A_192 = tpu.vector_load %arg8[%get3A_190, %get3A_191] {strides = array<i32>} : memref<16x256xf32, #tpu.memory_space<vmem>>, vector<1x16xf32>,
        %get3A_193 = vector.shape_cast %get3A_192 : vector<1x16xf32> to vector<16xf32>
        %add3A_194 = arith.addf %get3A_193, %while3A_160#3 : vector<16xf32>
        %swap3A_195 = arith.index_cast %scan3A_147 : i32 to index
        %swap3A_196 = arith.constant 48 : index
        %swap3A_197 = tpu.vector_load %arg8[%swap3A_195, %swap3A_196] {strides = array<i32>} : memref<16x256xf32, #tpu.memory_space<vmem>>, vector<1x16xf32>,
        %swap3A_198 = vector.shape_cast %swap3A_197 : vector<1x16xf32> to vector<16xf32>
        %swap3A_199 = vector.shape_cast %add3A_194 : vector<16xf32> to vector<1x16xf32>
        tpu.vector_store %arg8[%swap3A_195, %swap3A_196], %swap3A_199 {strides = array<i32>} : memref<16x256xf32, #tpu.memory_space<vmem>>, vector<1x16xf32>,
        %get3A_200 = arith.index_cast %scan3A_147 : i32 to index
        %get3A_201 = arith.constant 64 : index
        %get3A_202 = tpu.vector_load %arg8[%get3A_200, %get3A_201] {strides = array<i32>} : memref<16x256xf32, #tpu.memory_space<vmem>>, vector<1x16xf32>,
        %get3A_203 = vector.shape_cast %get3A_202 : vector<1x16xf32> to vector<16xf32>
        %add3A_204 = arith.addf %get3A_203, %while3A_160#4 : vector<16xf32>
        %swap3A_205 = arith.index_cast %scan3A_147 : i32 to index
        %swap3A_206 = arith.constant 64 : index
        %swap3A_207 = tpu.vector_load %arg8[%swap3A_205, %swap3A_206] {strides = array<i32>} : memref<16x256xf32, #tpu.memory_space<vmem>>, vector<1x16xf32>,
        %swap3A_208 = vector.shape_cast %swap3A_207 : vector<1x16xf32> to vector<16xf32>
        %swap3A_209 = vector.shape_cast %add3A_204 : vector<16xf32> to vector<1x16xf32>
        tpu.vector_store %arg8[%swap3A_205, %swap3A_206], %swap3A_209 {strides = array<i32>} : memref<16x256xf32, #tpu.memory_space<vmem>>, vector<1x16xf32>,
        %get3A_210 = arith.index_cast %scan3A_147 : i32 to index
        %get3A_211 = arith.constant 80 : index
        %get3A_212 = tpu.vector_load %arg8[%get3A_210, %get3A_211] {strides = array<i32>} : memref<16x256xf32, #tpu.memory_space<vmem>>, vector<1x16xf32>,
        %get3A_213 = vector.shape_cast %get3A_212 : vector<1x16xf32> to vector<16xf32>
        %add3A_214 = arith.addf %get3A_213, %while3A_160#5 : vector<16xf32>
        %swap3A_215 = arith.index_cast %scan3A_147 : i32 to index
        %swap3A_216 = arith.constant 80 : index
        %swap3A_217 = tpu.vector_load %arg8[%swap3A_215, %swap3A_216] {strides = array<i32>} : memref<16x256xf32, #tpu.memory_space<vmem>>, vector<1x16xf32>,
        %swap3A_218 = vector.shape_cast %swap3A_217 : vector<1x16xf32> to vector<16xf32>
        %swap3A_219 = vector.shape_cast %add3A_214 : vector<16xf32> to vector<1x16xf32>
        tpu.vector_store %arg8[%swap3A_215, %swap3A_216], %swap3A_219 {strides = array<i32>} : memref<16x256xf32, #tpu.memory_space<vmem>>, vector<1x16xf32>,
        %get3A_220 = arith.index_cast %scan3A_147 : i32 to index
        %get3A_221 = arith.constant 96 : index
        %get3A_222 = tpu.vector_load %arg8[%get3A_220, %get3A_221] {strides = array<i32>} : memref<16x256xf32, #tpu.memory_space<vmem>>, vector<1x16xf32>,
        %get3A_223 = vector.shape_cast %get3A_222 : vector<1x16xf32> to vector<16xf32>
        %add3A_224 = arith.addf %get3A_223, %while3A_160#6 : vector<16xf32>
        %swap3A_225 = arith.index_cast %scan3A_147 : i32 to index
        %swap3A_226 = arith.constant 96 : index
        %swap3A_227 = tpu.vector_load %arg8[%swap3A_225, %swap3A_226] {strides = array<i32>} : memref<16x256xf32, #tpu.memory_space<vmem>>, vector<1x16xf32>,
        %swap3A_228 = vector.shape_cast %swap3A_227 : vector<1x16xf32> to vector<16xf32>
        %swap3A_229 = vector.shape_cast %add3A_224 : vector<16xf32> to vector<1x16xf32>
        tpu.vector_store %arg8[%swap3A_225, %swap3A_226], %swap3A_229 {strides = array<i32>} : memref<16x256xf32, #tpu.memory_space<vmem>>, vector<1x16xf32>,
        %get3A_230 = arith.index_cast %scan3A_147 : i32 to index
        %get3A_231 = arith.constant 112 : index
        %get3A_232 = tpu.vector_load %arg8[%get3A_230, %get3A_231] {strides = array<i32>} : memref<16x256xf32, #tpu.memory_space<vmem>>, vector<1x16xf32>,
        %get3A_233 = vector.shape_cast %get3A_232 : vector<1x16xf32> to vector<16xf32>
        %add3A_234 = arith.addf %get3A_233, %while3A_160#7 : vector<16xf32>
        %swap3A_235 = arith.index_cast %scan3A_147 : i32 to index
        %swap3A_236 = arith.constant 112 : index
        %swap3A_237 = tpu.vector_load %arg8[%swap3A_235, %swap3A_236] {strides = array<i32>} : memref<16x256xf32, #tpu.memory_space<vmem>>, vector<1x16xf32>,
        %swap3A_238 = vector.shape_cast %swap3A_237 : vector<1x16xf32> to vector<16xf32>
        %swap3A_239 = vector.shape_cast %add3A_234 : vector<16xf32> to vector<1x16xf32>
        tpu.vector_store %arg8[%swap3A_235, %swap3A_236], %swap3A_239 {strides = array<i32>} : memref<16x256xf32, #tpu.memory_space<vmem>>, vector<1x16xf32>,
        %get3A_240 = arith.index_cast %scan3A_147 : i32 to index
        %get3A_241 = arith.constant 128 : index
        %get3A_242 = tpu.vector_load %arg8[%get3A_240, %get3A_241] {strides = array<i32>} : memref<16x256xf32, #tpu.memory_space<vmem>>, vector<1x16xf32>,
        %get3A_243 = vector.shape_cast %get3A_242 : vector<1x16xf32> to vector<16xf32>
        %add3A_244 = arith.addf %get3A_243, %while3A_160#8 : vector<16xf32>
        %swap3A_245 = arith.index_cast %scan3A_147 : i32 to index
        %swap3A_246 = arith.constant 128 : index
        %swap3A_247 = tpu.vector_load %arg8[%swap3A_245, %swap3A_246] {strides = array<i32>} : memref<16x256xf32, #tpu.memory_space<vmem>>, vector<1x16xf32>,
        %swap3A_248 = vector.shape_cast %swap3A_247 : vector<1x16xf32> to vector<16xf32>
        %swap3A_249 = vector.shape_cast %add3A_244 : vector<16xf32> to vector<1x16xf32>
        tpu.vector_store %arg8[%swap3A_245, %swap3A_246], %swap3A_249 {strides = array<i32>} : memref<16x256xf32, #tpu.memory_space<vmem>>, vector<1x16xf32>,
        %get3A_250 = arith.index_cast %scan3A_147 : i32 to index
        %get3A_251 = arith.constant 144 : index
        %get3A_252 = tpu.vector_load %arg8[%get3A_250, %get3A_251] {strides = array<i32>} : memref<16x256xf32, #tpu.memory_space<vmem>>, vector<1x16xf32>,
        %get3A_253 = vector.shape_cast %get3A_252 : vector<1x16xf32> to vector<16xf32>
        %add3A_254 = arith.addf %get3A_253, %while3A_160#9 : vector<16xf32>
        %swap3A_255 = arith.index_cast %scan3A_147 : i32 to index
        %swap3A_256 = arith.constant 144 : index
        %swap3A_257 = tpu.vector_load %arg8[%swap3A_255, %swap3A_256] {strides = array<i32>} : memref<16x256xf32, #tpu.memory_space<vmem>>, vector<1x16xf32>,
        %swap3A_258 = vector.shape_cast %swap3A_257 : vector<1x16xf32> to vector<16xf32>
        %swap3A_259 = vector.shape_cast %add3A_254 : vector<16xf32> to vector<1x16xf32>
        tpu.vector_store %arg8[%swap3A_255, %swap3A_256], %swap3A_259 {strides = array<i32>} : memref<16x256xf32, #tpu.memory_space<vmem>>, vector<1x16xf32>,
        %get3A_260 = arith.index_cast %scan3A_147 : i32 to index
        %get3A_261 = arith.constant 160 : index
        %get3A_262 = tpu.vector_load %arg8[%get3A_260, %get3A_261] {strides = array<i32>} : memref<16x256xf32, #tpu.memory_space<vmem>>, vector<1x16xf32>,
        %get3A_263 = vector.shape_cast %get3A_262 : vector<1x16xf32> to vector<16xf32>
        %add3A_264 = arith.addf %get3A_263, %while3A_160#10 : vector<16xf32>
        %swap3A_265 = arith.index_cast %scan3A_147 : i32 to index
        %swap3A_266 = arith.constant 160 : index
        %swap3A_267 = tpu.vector_load %arg8[%swap3A_265, %swap3A_266] {strides = array<i32>} : memref<16x256xf32, #tpu.memory_space<vmem>>, vector<1x16xf32>,
        %swap3A_268 = vector.shape_cast %swap3A_267 : vector<1x16xf32> to vector<16xf32>
        %swap3A_269 = vector.shape_cast %add3A_264 : vector<16xf32> to vector<1x16xf32>
        tpu.vector_store %arg8[%swap3A_265, %swap3A_266], %swap3A_269 {strides = array<i32>} : memref<16x256xf32, #tpu.memory_space<vmem>>, vector<1x16xf32>,
        %get3A_270 = arith.index_cast %scan3A_147 : i32 to index
        %get3A_271 = arith.constant 176 : index
        %get3A_272 = tpu.vector_load %arg8[%get3A_270, %get3A_271] {strides = array<i32>} : memref<16x256xf32, #tpu.memory_space<vmem>>, vector<1x16xf32>,
        %get3A_273 = vector.shape_cast %get3A_272 : vector<1x16xf32> to vector<16xf32>
        %add3A_274 = arith.addf %get3A_273, %while3A_160#11 : vector<16xf32>
        %swap3A_275 = arith.index_cast %scan3A_147 : i32 to index
        %swap3A_276 = arith.constant 176 : index
        %swap3A_277 = tpu.vector_load %arg8[%swap3A_275, %swap3A_276] {strides = array<i32>} : memref<16x256xf32, #tpu.memory_space<vmem>>, vector<1x16xf32>,
        %swap3A_278 = vector.shape_cast %swap3A_277 : vector<1x16xf32> to vector<16xf32>
        %swap3A_279 = vector.shape_cast %add3A_274 : vector<16xf32> to vector<1x16xf32>
        tpu.vector_store %arg8[%swap3A_275, %swap3A_276], %swap3A_279 {strides = array<i32>} : memref<16x256xf32, #tpu.memory_space<vmem>>, vector<1x16xf32>,
        %get3A_280 = arith.index_cast %scan3A_147 : i32 to index
        %get3A_281 = arith.constant 192 : index
        %get3A_282 = tpu.vector_load %arg8[%get3A_280, %get3A_281] {strides = array<i32>} : memref<16x256xf32, #tpu.memory_space<vmem>>, vector<1x16xf32>,
        %get3A_283 = vector.shape_cast %get3A_282 : vector<1x16xf32> to vector<16xf32>
        %add3A_284 = arith.addf %get3A_283, %while3A_160#12 : vector<16xf32>
        %swap3A_285 = arith.index_cast %scan3A_147 : i32 to index
        %swap3A_286 = arith.constant 192 : index
        %swap3A_287 = tpu.vector_load %arg8[%swap3A_285, %swap3A_286] {strides = array<i32>} : memref<16x256xf32, #tpu.memory_space<vmem>>, vector<1x16xf32>,
        %swap3A_288 = vector.shape_cast %swap3A_287 : vector<1x16xf32> to vector<16xf32>
        %swap3A_289 = vector.shape_cast %add3A_284 : vector<16xf32> to vector<1x16xf32>
        tpu.vector_store %arg8[%swap3A_285, %swap3A_286], %swap3A_289 {strides = array<i32>} : memref<16x256xf32, #tpu.memory_space<vmem>>, vector<1x16xf32>,
        %get3A_290 = arith.index_cast %scan3A_147 : i32 to index
        %get3A_291 = arith.constant 208 : index
        %get3A_292 = tpu.vector_load %arg8[%get3A_290, %get3A_291] {strides = array<i32>} : memref<16x256xf32, #tpu.memory_space<vmem>>, vector<1x16xf32>,
        %get3A_293 = vector.shape_cast %get3A_292 : vector<1x16xf32> to vector<16xf32>
        %add3A_294 = arith.addf %get3A_293, %while3A_160#13 : vector<16xf32>
        %swap3A_295 = arith.index_cast %scan3A_147 : i32 to index
        %swap3A_296 = arith.constant 208 : index
        %swap3A_297 = tpu.vector_load %arg8[%swap3A_295, %swap3A_296] {strides = array<i32>} : memref<16x256xf32, #tpu.memory_space<vmem>>, vector<1x16xf32>,
        %swap3A_298 = vector.shape_cast %swap3A_297 : vector<1x16xf32> to vector<16xf32>
        %swap3A_299 = vector.shape_cast %add3A_294 : vector<16xf32> to vector<1x16xf32>
        tpu.vector_store %arg8[%swap3A_295, %swap3A_296], %swap3A_299 {strides = array<i32>} : memref<16x256xf32, #tpu.memory_space<vmem>>, vector<1x16xf32>,
        %get3A_300 = arith.index_cast %scan3A_147 : i32 to index
        %get3A_301 = arith.constant 224 : index
        %get3A_302 = tpu.vector_load %arg8[%get3A_300, %get3A_301] {strides = array<i32>} : memref<16x256xf32, #tpu.memory_space<vmem>>, vector<1x16xf32>,
        %get3A_303 = vector.shape_cast %get3A_302 : vector<1x16xf32> to vector<16xf32>
        %add3A_304 = arith.addf %get3A_303, %while3A_160#14 : vector<16xf32>
        %swap3A_305 = arith.index_cast %scan3A_147 : i32 to index
        %swap3A_306 = arith.constant 224 : index
        %swap3A_307 = tpu.vector_load %arg8[%swap3A_305, %swap3A_306] {strides = array<i32>} : memref<16x256xf32, #tpu.memory_space<vmem>>, vector<1x16xf32>,
        %swap3A_308 = vector.shape_cast %swap3A_307 : vector<1x16xf32> to vector<16xf32>
        %swap3A_309 = vector.shape_cast %add3A_304 : vector<16xf32> to vector<1x16xf32>
        tpu.vector_store %arg8[%swap3A_305, %swap3A_306], %swap3A_309 {strides = array<i32>} : memref<16x256xf32, #tpu.memory_space<vmem>>, vector<1x16xf32>,
        %get3A_310 = arith.index_cast %scan3A_147 : i32 to index
        %get3A_311 = arith.constant 240 : index
        %get3A_312 = tpu.vector_load %arg8[%get3A_310, %get3A_311] {strides = array<i32>} : memref<16x256xf32, #tpu.memory_space<vmem>>, vector<1x16xf32>,
        %get3A_313 = vector.shape_cast %get3A_312 : vector<1x16xf32> to vector<16xf32>
        %add3A_314 = arith.addf %get3A_313, %while3A_160#15 : vector<16xf32>
        %swap3A_315 = arith.index_cast %scan3A_147 : i32 to index
        %swap3A_316 = arith.constant 240 : index
        %swap3A_317 = tpu.vector_load %arg8[%swap3A_315, %swap3A_316] {strides = array<i32>} : memref<16x256xf32, #tpu.memory_space<vmem>>, vector<1x16xf32>,
        %swap3A_318 = vector.shape_cast %swap3A_317 : vector<1x16xf32> to vector<16xf32>
        %swap3A_319 = vector.shape_cast %add3A_314 : vector<16xf32> to vector<1x16xf32>
        tpu.vector_store %arg8[%swap3A_315, %swap3A_316], %swap3A_319 {strides = array<i32>} : memref<16x256xf32, #tpu.memory_space<vmem>>, vector<1x16xf32>,
        %add3A_320 = arith.addf %while3A_160#16, %while3A_160#17 : vector<16xf32>
        %add3A_321 = arith.addf %while3A_160#18, %while3A_160#19 : vector<16xf32>
        %add3A_322 = arith.addf %add3A_320, %add3A_321 : vector<16xf32>
        %get3A_323 = arith.index_cast %scan3A_147 : i32 to index
        %get3A_324 = arith.constant 0 : index
        %get3A_325 = tpu.vector_load %arg9[%get3A_323, %get3A_324] {strides = array<i32>} : memref<16x32xf32, #tpu.memory_space<vmem>>, vector<1x16xf32>,
        %get3A_326 = vector.shape_cast %get3A_325 : vector<1x16xf32> to vector<16xf32>
        %add3A_327 = arith.addf %get3A_326, %add3A_322 : vector<16xf32>
        %swap3A_328 = arith.index_cast %scan3A_147 : i32 to index
        %swap3A_329 = arith.constant 0 : index
        %swap3A_330 = tpu.vector_load %arg9[%swap3A_328, %swap3A_329] {strides = array<i32>} : memref<16x32xf32, #tpu.memory_space<vmem>>, vector<1x16xf32>,
        %swap3A_331 = vector.shape_cast %swap3A_330 : vector<1x16xf32> to vector<16xf32>
        %swap3A_332 = vector.shape_cast %add3A_327 : vector<16xf32> to vector<1x16xf32>
        tpu.vector_store %arg9[%swap3A_328, %swap3A_329], %swap3A_332 {strides = array<i32>} : memref<16x32xf32, #tpu.memory_space<vmem>>, vector<1x16xf32>,
        %convert_element_type3A_333 = arith.sitofp %get3A_148 : i32 to f32
        %get3A_334 = arith.index_cast %scan3A_147 : i32 to index
        %get3A_335 = arith.constant 16 : index
        %get3A_336 = tpu.vector_load %arg9[%get3A_334, %get3A_335] {strides = array<i32>} : memref<16x32xf32, #tpu.memory_space<vmem>>, vector<1x16xf32>,
        %get3A_337 = vector.shape_cast %get3A_336 : vector<1x16xf32> to vector<16xf32>
        %add3A_338 = vector.broadcast %convert_element_type3A_333 : f32 to vector<16xf32>
        %add3A_339 = arith.addf %broadcast_in_dim3A_3, %add3A_338 : vector<16xf32>
        %add3A_340 = arith.addf %get3A_337, %add3A_339 : vector<16xf32>
        %swap3A_341 = arith.index_cast %scan3A_147 : i32 to index
        %swap3A_342 = arith.constant 16 : index
        %swap3A_343 = tpu.vector_load %arg9[%swap3A_341, %swap3A_342] {strides = array<i32>} : memref<16x32xf32, #tpu.memory_space<vmem>>, vector<1x16xf32>,
        %swap3A_344 = vector.shape_cast %swap3A_343 : vector<1x16xf32> to vector<16xf32>
        %swap3A_345 = vector.shape_cast %add3A_340 : vector<16xf32> to vector<1x16xf32>
        tpu.vector_store %arg9[%swap3A_341, %swap3A_342], %swap3A_345 {strides = array<i32>} : memref<16x32xf32, #tpu.memory_space<vmem>>, vector<1x16xf32>,
      }
      %scan3A_141 = arith.constant 13 : i32
      %add3A_142 = arith.constant 2 : i32
      %add3A_143 = arith.addi %scan3A_74, %add3A_142 : i32
      %lt3A_144 = arith.constant 8 : i32
      %lt3A_145 = arith.cmpi slt, %add3A_143, %lt3A_144 : i32
      %convert_element_type3A = arith.extui %lt3A_145 : i1 to i32
      %cond3A = arith.constant 0 : i32
      %cond3A_146 = arith.cmpi ne, %convert_element_type3A, %cond3A : i32
      scf.if %cond3A_146 {
        %add3A_147 = arith.constant 2 : i32
        %add3A_148 = arith.addi %scan3A_74, %add3A_147 : i32
        %jit3A_149 = arith.constant 2 : i32
        %eq3A_150 = arith.constant 0 : i32
        %eq3A_151 = arith.cmpi eq, %jit3A_149, %eq3A_150 : i32
        %jit3A_152 = arith.constant 1 : i32
        %select_n3A_153 = arith.select %eq3A_151, %jit3A_152, %jit3A_149 : i32
        %rem3A_154 = arith.remsi %add3A_148, %select_n3A_153 : i32
        %ne3A_155 = arith.constant 0 : i32
        %ne3A_156 = arith.cmpi ne, %rem3A_154, %ne3A_155 : i32
        %lt3A_157 = arith.constant 0 : i32
        %lt3A_158 = arith.cmpi slt, %rem3A_154, %lt3A_157 : i32
        %lt3A_159 = arith.constant 0 : i32
        %lt3A_160 = arith.cmpi slt, %select_n3A_153, %lt3A_159 : i32
        %ne3A_161 = arith.xori %lt3A_158, %lt3A_160 : i1
        %and3A_162 = arith.andi %ne3A_161, %ne3A_156 : i1
        %add3A_163 = arith.addi %rem3A_154, %select_n3A_153 : i32
        %select_n3A_164 = arith.select %and3A_162, %add3A_163, %rem3A_154 : i32
        %mul3A_165 = arith.constant 128 : i32
        %mul3A_166 = arith.muli %add3A_148, %mul3A_165 : i32
        %add3A_167 = arith.addi %mul3A_2, %mul3A_166 : i32
        %dma_start3A_168 = arith.constant 0 : i32
        %dma_start3A_169 = arith.constant 0 : i32
        %dma_start3A_170 = tpu.memref_slice %arg6[%select_n3A_164, %dma_start3A_168, %dma_start3A_169] : memref<2x128x256xf32, #tpu.memory_space<vmem>> -> memref<1x128x256xf32, #tpu.memory_space<vmem>>
        %dma_start3A_171 = tpu.memref_squeeze %dma_start3A_170 : memref<1x128x256xf32, #tpu.memory_space<vmem>> -> memref<128x256xf32, #tpu.memory_space<vmem>>
        %dma_start3A_172 = arith.constant 0 : i32
        %dma_start3A_173 = tpu.memref_slice %arg2[%add3A_167, %dma_start3A_172] : memref<65536x256xf32, #tpu.memory_space<hbm>> -> memref<128x256xf32, #tpu.memory_space<hbm>>
        %dma_start3A_174 = tpu.memref_slice %arg15[%select_n3A_164] : memref<2x!tpu.dma_semaphore, #tpu.memory_space<semaphore_mem>> -> memref<1x!tpu.dma_semaphore, #tpu.memory_space<semaphore_mem>>
        %dma_start3A_175 = tpu.memref_squeeze %dma_start3A_174 : memref<1x!tpu.dma_semaphore, #tpu.memory_space<semaphore_mem>> -> memref<!tpu.dma_semaphore, #tpu.memory_space<semaphore_mem>>
        %dma_start3A_176 = arith.constant 0 : i32
        %dma_start3A_177 = arith.constant 0 : i32
        %dma_start3A_178 = tpu.memref_slice %arg6[%select_n3A_164, %dma_start3A_176, %dma_start3A_177] : memref<2x128x256xf32, #tpu.memory_space<vmem>> -> memref<1x128x256xf32, #tpu.memory_space<vmem>>
        %dma_start3A_179 = tpu.memref_squeeze %dma_start3A_178 : memref<1x128x256xf32, #tpu.memory_space<vmem>> -> memref<128x256xf32, #tpu.memory_space<vmem>>
        %dma_start3A_180 = arith.constant 0 : i32
        %dma_start3A_181 = tpu.memref_slice %arg2[%add3A_167, %dma_start3A_180] : memref<65536x256xf32, #tpu.memory_space<hbm>> -> memref<128x256xf32, #tpu.memory_space<hbm>>
        tpu.enqueue_dma source(%dma_start3A_181 : memref<128x256xf32, #tpu.memory_space<hbm>>) target(%dma_start3A_179 : memref<128x256xf32, #tpu.memory_space<vmem>>) target_semaphore(%dma_start3A_175 : memref<!tpu.dma_semaphore, #tpu.memory_space<semaphore_mem>>)
        %dma_start3A_182 = arith.constant 0 : i32
        %dma_start3A_183 = tpu.memref_slice %arg7[%select_n3A_164, %dma_start3A_182] : memref<2x128xi32, #tpu.memory_space<vmem>> -> memref<1x128xi32, #tpu.memory_space<vmem>>
        %dma_start3A_184 = tpu.memref_squeeze %dma_start3A_183 : memref<1x128xi32, #tpu.memory_space<vmem>> -> memref<128xi32, #tpu.memory_space<vmem>>
        %dma_start3A_185 = tpu.memref_slice %arg3[%add3A_167] : memref<65536xi32, #tpu.memory_space<hbm>> -> memref<128xi32, #tpu.memory_space<hbm>>
        %dma_start3A_186 = tpu.memref_slice %arg16[%select_n3A_164] : memref<2x!tpu.dma_semaphore, #tpu.memory_space<semaphore_mem>> -> memref<1x!tpu.dma_semaphore, #tpu.memory_space<semaphore_mem>>
        %dma_start3A_187 = tpu.memref_squeeze %dma_start3A_186 : memref<1x!tpu.dma_semaphore, #tpu.memory_space<semaphore_mem>> -> memref<!tpu.dma_semaphore, #tpu.memory_space<semaphore_mem>>
        %dma_start3A_188 = arith.constant 0 : i32
        %dma_start3A_189 = tpu.memref_slice %arg7[%select_n3A_164, %dma_start3A_188] : memref<2x128xi32, #tpu.memory_space<vmem>> -> memref<1x128xi32, #tpu.memory_space<vmem>>
        %dma_start3A_190 = tpu.memref_squeeze %dma_start3A_189 : memref<1x128xi32, #tpu.memory_space<vmem>> -> memref<128xi32, #tpu.memory_space<vmem>>
        %dma_start3A_191 = tpu.memref_slice %arg3[%add3A_167] : memref<65536xi32, #tpu.memory_space<hbm>> -> memref<128xi32, #tpu.memory_space<hbm>>
        tpu.enqueue_dma source(%dma_start3A_191 : memref<128xi32, #tpu.memory_space<hbm>>) target(%dma_start3A_190 : memref<128xi32, #tpu.memory_space<vmem>>) target_semaphore(%dma_start3A_187 : memref<!tpu.dma_semaphore, #tpu.memory_space<semaphore_mem>>)
      } else {
      }
    }
    %scan3A_73 = arith.constant 8 : i32
    "tpu.region"() ({
      %run_scoped3A = tpu.sem_alloc : memref<!tpu.dma_semaphore, #tpu.memory_space<semaphore_mem>>
      %dma_start3A_74 = arith.constant 0 : i32
      %dma_start3A_75 = arith.constant 0 : i32
      %dma_start3A_76 = tpu.memref_slice %arg4[%add3A, %dma_start3A_74, %dma_start3A_75] : memref<32x16x256xf32, #tpu.memory_space<hbm>> -> memref<1x16x256xf32, #tpu.memory_space<hbm>>
      %dma_start3A_77 = tpu.memref_squeeze %dma_start3A_76 : memref<1x16x256xf32, #tpu.memory_space<hbm>> -> memref<16x256xf32, #tpu.memory_space<hbm>>
      %dma_start3A_78 = arith.constant 0 : i32
      %dma_start3A_79 = arith.constant 0 : i32
      %dma_start3A_80 = tpu.memref_slice %arg4[%add3A, %dma_start3A_78, %dma_start3A_79] : memref<32x16x256xf32, #tpu.memory_space<hbm>> -> memref<1x16x256xf32, #tpu.memory_space<hbm>>
      %dma_start3A_81 = tpu.memref_squeeze %dma_start3A_80 : memref<1x16x256xf32, #tpu.memory_space<hbm>> -> memref<16x256xf32, #tpu.memory_space<hbm>>
      tpu.enqueue_dma source(%arg8 : memref<16x256xf32, #tpu.memory_space<vmem>>) target(%dma_start3A_81 : memref<16x256xf32, #tpu.memory_space<hbm>>) target_semaphore(%run_scoped3A : memref<!tpu.dma_semaphore, #tpu.memory_space<semaphore_mem>>)
      %dma_wait3A = arith.constant 0 : i32
      %dma_wait3A_82 = arith.constant 0 : i32
      %dma_wait3A_83 = tpu.memref_slice %arg4[%add3A, %dma_wait3A, %dma_wait3A_82] : memref<32x16x256xf32, #tpu.memory_space<hbm>> -> memref<1x16x256xf32, #tpu.memory_space<hbm>>
      %dma_wait3A_84 = tpu.memref_squeeze %dma_wait3A_83 : memref<1x16x256xf32, #tpu.memory_space<hbm>> -> memref<16x256xf32, #tpu.memory_space<hbm>>
      %dma_wait3A_85 = arith.constant 0 : i32
      %dma_wait3A_86 = arith.constant 0 : i32
      %dma_wait3A_87 = tpu.memref_slice %arg4[%add3A, %dma_wait3A_85, %dma_wait3A_86] : memref<32x16x256xf32, #tpu.memory_space<hbm>> -> memref<1x16x256xf32, #tpu.memory_space<hbm>>
      %dma_wait3A_88 = tpu.memref_squeeze %dma_wait3A_87 : memref<1x16x256xf32, #tpu.memory_space<hbm>> -> memref<16x256xf32, #tpu.memory_space<hbm>>
      tpu.wait_dma2 semaphore(%run_scoped3A : memref<!tpu.dma_semaphore, #tpu.memory_space<semaphore_mem>>) src(%arg8 : memref<16x256xf32, #tpu.memory_space<vmem>>) dst(%dma_wait3A_88 : memref<16x256xf32, #tpu.memory_space<hbm>>)
      tpu.yield
    }) : () -> ()
    "tpu.region"() ({
      %run_scoped3A = tpu.sem_alloc : memref<!tpu.dma_semaphore, #tpu.memory_space<semaphore_mem>>
      %dma_start3A_74 = arith.constant 0 : i32
      %dma_start3A_75 = arith.constant 0 : i32
      %dma_start3A_76 = tpu.memref_slice %arg5[%add3A, %dma_start3A_74, %dma_start3A_75] : memref<32x16x32xf32, #tpu.memory_space<hbm>> -> memref<1x16x32xf32, #tpu.memory_space<hbm>>
      %dma_start3A_77 = tpu.memref_squeeze %dma_start3A_76 : memref<1x16x32xf32, #tpu.memory_space<hbm>> -> memref<16x32xf32, #tpu.memory_space<hbm>>
      %dma_start3A_78 = arith.constant 0 : i32
      %dma_start3A_79 = arith.constant 0 : i32
      %dma_start3A_80 = tpu.memref_slice %arg5[%add3A, %dma_start3A_78, %dma_start3A_79] : memref<32x16x32xf32, #tpu.memory_space<hbm>> -> memref<1x16x32xf32, #tpu.memory_space<hbm>>
      %dma_start3A_81 = tpu.memref_squeeze %dma_start3A_80 : memref<1x16x32xf32, #tpu.memory_space<hbm>> -> memref<16x32xf32, #tpu.memory_space<hbm>>
      tpu.enqueue_dma source(%arg9 : memref<16x32xf32, #tpu.memory_space<vmem>>) target(%dma_start3A_81 : memref<16x32xf32, #tpu.memory_space<hbm>>) target_semaphore(%run_scoped3A : memref<!tpu.dma_semaphore, #tpu.memory_space<semaphore_mem>>)
      %dma_wait3A = arith.constant 0 : i32
      %dma_wait3A_82 = arith.constant 0 : i32
      %dma_wait3A_83 = tpu.memref_slice %arg5[%add3A, %dma_wait3A, %dma_wait3A_82] : memref<32x16x32xf32, #tpu.memory_space<hbm>> -> memref<1x16x32xf32, #tpu.memory_space<hbm>>
      %dma_wait3A_84 = tpu.memref_squeeze %dma_wait3A_83 : memref<1x16x32xf32, #tpu.memory_space<hbm>> -> memref<16x32xf32, #tpu.memory_space<hbm>>
      %dma_wait3A_85 = arith.constant 0 : i32
      %dma_wait3A_86 = arith.constant 0 : i32
      %dma_wait3A_87 = tpu.memref_slice %arg5[%add3A, %dma_wait3A_85, %dma_wait3A_86] : memref<32x16x32xf32, #tpu.memory_space<hbm>> -> memref<1x16x32xf32, #tpu.memory_space<hbm>>
      %dma_wait3A_88 = tpu.memref_squeeze %dma_wait3A_87 : memref<1x16x32xf32, #tpu.memory_space<hbm>> -> memref<16x32xf32, #tpu.memory_space<hbm>>
      tpu.wait_dma2 semaphore(%run_scoped3A : memref<!tpu.dma_semaphore, #tpu.memory_space<semaphore_mem>>) src(%arg9 : memref<16x32xf32, #tpu.memory_space<vmem>>) dst(%dma_wait3A_88 : memref<16x32xf32, #tpu.memory_space<hbm>>)
      tpu.yield
    }) : () -> ()
    return
  }
}

module attributes {stable_mosaic.version = 14 : i64} {
  func.func @_tc_body(%arg0: i32, %arg1: memref<1x1x2048xi32, #tpu.memory_space<vmem>>, %arg2: memref<2048x256xf32, #tpu.memory_space<vmem>>, %arg3: memref<16x256xf32, #tpu.memory_space<vmem>>, %arg4: memref<16x128xf32, #tpu.memory_space<vmem>>, %arg5: memref<16x256xf32, #tpu.memory_space<vmem>>, %arg6: memref<16x128xf32, #tpu.memory_space<vmem>>) attributes {dimension_semantics = [#tpu.dimension_semantics<arbitrary>], iteration_bounds = array<i64: 16>, scalar_prefetch = 0 : i64, scratch_operands = 2 : i64, tpu.core_type = #tpu.core_type<tc>, window_params = [{transform_indices = @transform_0, window_bounds = array<i64: 1, 1, 2048>}, {transform_indices = @transform_1, window_bounds = array<i64: 2048, 256>}, {pipeline_mode = #tpu.pipeline_mode<synchronous>, transform_indices = @transform_2, window_bounds = array<i64: 16, 256>}, {pipeline_mode = #tpu.pipeline_mode<synchronous>, transform_indices = @transform_3, window_bounds = array<i64: 16, 128>}]} {
    %get3A = arith.constant 0 : index
    %get3A_0 = arith.constant 0 : index
    %get3A_1 = vector.load %arg2[%get3A, %get3A_0] : memref<2048x256xf32, #tpu.memory_space<vmem>>, vector<2048x256xf32>
    %get3A_2 = arith.constant 0 : index
    %get3A_3 = arith.constant 0 : index
    %get3A_4 = arith.constant 0 : index
    %get3A_5 = vector.load %arg1[%get3A_2, %get3A_3, %get3A_4] : memref<1x1x2048xi32, #tpu.memory_space<vmem>>, vector<1x1x2048xi32>
    %get3A_6 = vector.shape_cast %get3A_5 : vector<1x1x2048xi32> to vector<1x2048xi32>
    %iota3A = tpu.iota {dimensions = array<i32: 0>} : vector<16x2048xi32>
    %eq3A = vector.broadcast %get3A_6 : vector<1x2048xi32> to vector<16x2048xi32>
    %eq3A_7 = arith.cmpi eq, %iota3A, %eq3A : vector<16x2048xi32>
    %convert_element_type3A = arith.extui %eq3A_7 : vector<16x2048xi1> to vector<16x2048xi32>
    %convert_element_type3A_8 = arith.sitofp %convert_element_type3A : vector<16x2048xi32> to vector<16x2048xf32>
    %mul3A = arith.mulf %get3A_1, %get3A_1 : vector<2048x256xf32>
    %reduce_sum3A = arith.constant dense<0.000000e+00> : vector<2048xf32>
    %reduce_sum3A_9 = vector.multi_reduction <add>, %mul3A, %reduce_sum3A [1] : vector<2048x256xf32> to vector<2048xf32>
    %broadcast_in_dim3A = vector.shape_cast %reduce_sum3A_9 : vector<2048xf32> to vector<2048x1xf32>
    %iota3A_10 = tpu.iota {dimensions = array<i32: 1>} : vector<2048x128xi32>
    %eq3A_11 = arith.constant 0 : i32
    %eq3A_12 = vector.broadcast %eq3A_11 : i32 to vector<2048x128xi32>
    %eq3A_13 = arith.cmpi eq, %iota3A_10, %eq3A_12 : vector<2048x128xi32>
    %eq3A_14 = arith.constant 1 : i32
    %eq3A_15 = vector.broadcast %eq3A_14 : i32 to vector<2048x128xi32>
    %eq3A_16 = arith.cmpi eq, %iota3A_10, %eq3A_15 : vector<2048x128xi32>
    %jit3A = arith.constant 1.000000e+00 : f32
    %jit3A_17 = arith.constant 0.000000e+00 : f32
    %broadcast_in_dim3A_18 = vector.broadcast %jit3A : f32 to vector<2048x128xf32>
    %broadcast_in_dim3A_19 = vector.broadcast %jit3A_17 : f32 to vector<2048x128xf32>
    %select_n3A = arith.select %eq3A_16, %broadcast_in_dim3A_18, %broadcast_in_dim3A_19 : vector<2048x128xi1>, vector<2048x128xf32>
    %broadcast_in_dim3A_20 = vector.shape_cast %broadcast_in_dim3A : vector<2048x1xf32> to vector<2048x1xf32>
    %broadcast_in_dim3A_21 = vector.broadcast %broadcast_in_dim3A_20 : vector<2048x1xf32> to vector<2048x128xf32>
    %select_n3A_22 = arith.select %eq3A_13, %broadcast_in_dim3A_21, %select_n3A : vector<2048x128xi1>, vector<2048x128xf32>
    %dot_general3A = arith.constant dense<0.000000e+00> : vector<16x256xf32>
    %dot_general3A_23 = tpu.matmul %convert_element_type3A_8, %get3A_1, %dot_general3A {dimension_numbers = #tpu.dot_dimension_numbers<[1], [0], [0], [1], [0, 0, 1, 1], [], []>, precision = #tpu.contract_precision<fp32>, transpose_lhs_hint = false} : vector<16x2048xf32>, vector<2048x256xf32>, vector<16x256xf32> -> vector<16x256xf32>
    %dot_general3A_24 = arith.constant dense<0.000000e+00> : vector<16x128xf32>
    %dot_general3A_25 = tpu.matmul %convert_element_type3A_8, %select_n3A_22, %dot_general3A_24 {dimension_numbers = #tpu.dot_dimension_numbers<[1], [0], [0], [1], [0, 0, 1, 1], [], []>, precision = #tpu.contract_precision<fp32>, transpose_lhs_hint = false} : vector<16x2048xf32>, vector<2048x128xf32>, vector<16x128xf32> -> vector<16x128xf32>
    %eq3A_26 = arith.constant 0 : i32
    %eq3A_27 = arith.cmpi eq, %arg0, %eq3A_26 : i32
    %convert_element_type3A_28 = arith.extui %eq3A_27 : i1 to i32
    %cond3A = arith.constant 0 : i32
    %cond3A_29 = arith.cmpi ne, %convert_element_type3A_28, %cond3A : i32
    scf.if %cond3A_29 {
      %swap3A = arith.constant 0 : index
      %swap3A_39 = arith.constant 0 : index
      %swap3A_40 = vector.load %arg5[%swap3A, %swap3A_39] : memref<16x256xf32, #tpu.memory_space<vmem>>, vector<16x256xf32>
      tpu.vector_store %arg5[%swap3A, %swap3A_39], %dot_general3A_23 {strides = array<i32>} : memref<16x256xf32, #tpu.memory_space<vmem>>, vector<16x256xf32>,
      %swap3A_41 = arith.constant 0 : index
      %swap3A_42 = arith.constant 0 : index
      %swap3A_43 = vector.load %arg6[%swap3A_41, %swap3A_42] : memref<16x128xf32, #tpu.memory_space<vmem>>, vector<16x128xf32>
      tpu.vector_store %arg6[%swap3A_41, %swap3A_42], %dot_general3A_25 {strides = array<i32>} : memref<16x128xf32, #tpu.memory_space<vmem>>, vector<16x128xf32>,
    } else {
    }
    %gt3A = arith.constant 0 : i32
    %gt3A_30 = arith.cmpi sgt, %arg0, %gt3A : i32
    %convert_element_type3A_31 = arith.extui %gt3A_30 : i1 to i32
    %cond3A_32 = arith.constant 0 : i32
    %cond3A_33 = arith.cmpi ne, %convert_element_type3A_31, %cond3A_32 : i32
    scf.if %cond3A_33 {
      %get3A_39 = arith.constant 0 : index
      %get3A_40 = arith.constant 0 : index
      %get3A_41 = vector.load %arg5[%get3A_39, %get3A_40] : memref<16x256xf32, #tpu.memory_space<vmem>>, vector<16x256xf32>
      %add3A = arith.addf %get3A_41, %dot_general3A_23 : vector<16x256xf32>
      %swap3A = arith.constant 0 : index
      %swap3A_42 = arith.constant 0 : index
      %swap3A_43 = vector.load %arg5[%swap3A, %swap3A_42] : memref<16x256xf32, #tpu.memory_space<vmem>>, vector<16x256xf32>
      tpu.vector_store %arg5[%swap3A, %swap3A_42], %add3A {strides = array<i32>} : memref<16x256xf32, #tpu.memory_space<vmem>>, vector<16x256xf32>,
      %get3A_44 = arith.constant 0 : index
      %get3A_45 = arith.constant 0 : index
      %get3A_46 = vector.load %arg6[%get3A_44, %get3A_45] : memref<16x128xf32, #tpu.memory_space<vmem>>, vector<16x128xf32>
      %add3A_47 = arith.addf %get3A_46, %dot_general3A_25 : vector<16x128xf32>
      %swap3A_48 = arith.constant 0 : index
      %swap3A_49 = arith.constant 0 : index
      %swap3A_50 = vector.load %arg6[%swap3A_48, %swap3A_49] : memref<16x128xf32, #tpu.memory_space<vmem>>, vector<16x128xf32>
      tpu.vector_store %arg6[%swap3A_48, %swap3A_49], %add3A_47 {strides = array<i32>} : memref<16x128xf32, #tpu.memory_space<vmem>>, vector<16x128xf32>,
    } else {
    }
    %eq3A_34 = arith.constant 15 : i32
    %eq3A_35 = arith.cmpi eq, %arg0, %eq3A_34 : i32
    %convert_element_type3A_36 = arith.extui %eq3A_35 : i1 to i32
    %cond3A_37 = arith.constant 0 : i32
    %cond3A_38 = arith.cmpi ne, %convert_element_type3A_36, %cond3A_37 : i32
    scf.if %cond3A_38 {
      %get3A_39 = arith.constant 0 : index
      %get3A_40 = arith.constant 0 : index
      %get3A_41 = vector.load %arg5[%get3A_39, %get3A_40] : memref<16x256xf32, #tpu.memory_space<vmem>>, vector<16x256xf32>
      %swap3A = arith.constant 0 : index
      %swap3A_42 = arith.constant 0 : index
      %swap3A_43 = vector.load %arg3[%swap3A, %swap3A_42] : memref<16x256xf32, #tpu.memory_space<vmem>>, vector<16x256xf32>
      tpu.vector_store %arg3[%swap3A, %swap3A_42], %get3A_41 {strides = array<i32>} : memref<16x256xf32, #tpu.memory_space<vmem>>, vector<16x256xf32>,
      %get3A_44 = arith.constant 0 : index
      %get3A_45 = arith.constant 0 : index
      %get3A_46 = vector.load %arg6[%get3A_44, %get3A_45] : memref<16x128xf32, #tpu.memory_space<vmem>>, vector<16x128xf32>
      %swap3A_47 = arith.constant 0 : index
      %swap3A_48 = arith.constant 0 : index
      %swap3A_49 = vector.load %arg4[%swap3A_47, %swap3A_48] : memref<16x128xf32, #tpu.memory_space<vmem>>, vector<16x128xf32>
      tpu.vector_store %arg4[%swap3A_47, %swap3A_48], %get3A_46 {strides = array<i32>} : memref<16x128xf32, #tpu.memory_space<vmem>>, vector<16x128xf32>,
    } else {
    }
    return
  }
  func.func @transform_0(%arg0: i32) -> (i32, i32, i32) {
    %add3A = arith.constant 16 : i32
    %add3A_0 = arith.addi %arg0, %add3A : i32
    %c0_i32 = arith.constant 0 : i32
    %c0_i32_1 = arith.constant 0 : i32
    %c0_i32_2 = arith.constant 0 : i32
    return %add3A_0, %c0_i32, %c0_i32_1 : i32, i32, i32
  }
  func.func @transform_1(%arg0: i32) -> (i32, i32) {
    %add3A = arith.constant 16 : i32
    %add3A_0 = arith.addi %arg0, %add3A : i32
    %c0_i32 = arith.constant 0 : i32
    %c0_i32_1 = arith.constant 0 : i32
    return %add3A_0, %c0_i32 : i32, i32
  }
  func.func @transform_2(%arg0: i32) -> (i32, i32) {
    %c0_i32 = arith.constant 0 : i32
    %c0_i32_0 = arith.constant 0 : i32
    %c0_i32_1 = arith.constant 0 : i32
    return %c0_i32, %c0_i32_0 : i32, i32
  }
  func.func @transform_3(%arg0: i32) -> (i32, i32) {
    %c0_i32 = arith.constant 0 : i32
    %c0_i32_0 = arith.constant 0 : i32
    %c0_i32_1 = arith.constant 0 : i32
    return %c0_i32, %c0_i32_0 : i32, i32
  }
}

module attributes {stable_mosaic.version = 14 : i64} {
  func.func @_epi_body(%arg0: memref<32x16x256xf32, #tpu.memory_space<vmem>>, %arg1: memref<32x16x32xf32, #tpu.memory_space<vmem>>, %arg2: memref<16x256xf32, #tpu.memory_space<vmem>>, %arg3: memref<16x128xf32, #tpu.memory_space<vmem>>, %arg4: memref<1x1xf32, #tpu.memory_space<vmem>>) attributes {dimension_semantics = [], scalar_prefetch = 0 : i64, scratch_operands = 0 : i64, tpu.core_type = #tpu.core_type<tc>} {
    %get3A = arith.constant 0 : index
    %get3A_0 = arith.constant 0 : index
    %get3A_1 = vector.load %arg2[%get3A, %get3A_0] : memref<16x256xf32, #tpu.memory_space<vmem>>, vector<16x256xf32>
    %get3A_2 = arith.constant 0 : index
    %get3A_3 = arith.constant 0 : index
    %get3A_4 = arith.constant 0 : index
    %get3A_5 = vector.load %arg1[%get3A_2, %get3A_3, %get3A_4] : memref<32x16x32xf32, #tpu.memory_space<vmem>>, vector<1x16x32xf32>
    %get3A_6 = vector.shape_cast %get3A_5 : vector<1x16x32xf32> to vector<16x32xf32>
    %get3A_7 = arith.constant 1 : index
    %get3A_8 = arith.constant 0 : index
    %get3A_9 = arith.constant 0 : index
    %get3A_10 = vector.load %arg1[%get3A_7, %get3A_8, %get3A_9] : memref<32x16x32xf32, #tpu.memory_space<vmem>>, vector<1x16x32xf32>
    %get3A_11 = vector.shape_cast %get3A_10 : vector<1x16x32xf32> to vector<16x32xf32>
    %add3A = arith.addf %get3A_6, %get3A_11 : vector<16x32xf32>
    %get3A_12 = arith.constant 2 : index
    %get3A_13 = arith.constant 0 : index
    %get3A_14 = arith.constant 0 : index
    %get3A_15 = vector.load %arg1[%get3A_12, %get3A_13, %get3A_14] : memref<32x16x32xf32, #tpu.memory_space<vmem>>, vector<1x16x32xf32>
    %get3A_16 = vector.shape_cast %get3A_15 : vector<1x16x32xf32> to vector<16x32xf32>
    %add3A_17 = arith.addf %add3A, %get3A_16 : vector<16x32xf32>
    %get3A_18 = arith.constant 3 : index
    %get3A_19 = arith.constant 0 : index
    %get3A_20 = arith.constant 0 : index
    %get3A_21 = vector.load %arg1[%get3A_18, %get3A_19, %get3A_20] : memref<32x16x32xf32, #tpu.memory_space<vmem>>, vector<1x16x32xf32>
    %get3A_22 = vector.shape_cast %get3A_21 : vector<1x16x32xf32> to vector<16x32xf32>
    %add3A_23 = arith.addf %add3A_17, %get3A_22 : vector<16x32xf32>
    %get3A_24 = arith.constant 4 : index
    %get3A_25 = arith.constant 0 : index
    %get3A_26 = arith.constant 0 : index
    %get3A_27 = vector.load %arg1[%get3A_24, %get3A_25, %get3A_26] : memref<32x16x32xf32, #tpu.memory_space<vmem>>, vector<1x16x32xf32>
    %get3A_28 = vector.shape_cast %get3A_27 : vector<1x16x32xf32> to vector<16x32xf32>
    %add3A_29 = arith.addf %add3A_23, %get3A_28 : vector<16x32xf32>
    %get3A_30 = arith.constant 5 : index
    %get3A_31 = arith.constant 0 : index
    %get3A_32 = arith.constant 0 : index
    %get3A_33 = vector.load %arg1[%get3A_30, %get3A_31, %get3A_32] : memref<32x16x32xf32, #tpu.memory_space<vmem>>, vector<1x16x32xf32>
    %get3A_34 = vector.shape_cast %get3A_33 : vector<1x16x32xf32> to vector<16x32xf32>
    %add3A_35 = arith.addf %add3A_29, %get3A_34 : vector<16x32xf32>
    %get3A_36 = arith.constant 6 : index
    %get3A_37 = arith.constant 0 : index
    %get3A_38 = arith.constant 0 : index
    %get3A_39 = vector.load %arg1[%get3A_36, %get3A_37, %get3A_38] : memref<32x16x32xf32, #tpu.memory_space<vmem>>, vector<1x16x32xf32>
    %get3A_40 = vector.shape_cast %get3A_39 : vector<1x16x32xf32> to vector<16x32xf32>
    %add3A_41 = arith.addf %add3A_35, %get3A_40 : vector<16x32xf32>
    %get3A_42 = arith.constant 7 : index
    %get3A_43 = arith.constant 0 : index
    %get3A_44 = arith.constant 0 : index
    %get3A_45 = vector.load %arg1[%get3A_42, %get3A_43, %get3A_44] : memref<32x16x32xf32, #tpu.memory_space<vmem>>, vector<1x16x32xf32>
    %get3A_46 = vector.shape_cast %get3A_45 : vector<1x16x32xf32> to vector<16x32xf32>
    %add3A_47 = arith.addf %add3A_41, %get3A_46 : vector<16x32xf32>
    %get3A_48 = arith.constant 8 : index
    %get3A_49 = arith.constant 0 : index
    %get3A_50 = arith.constant 0 : index
    %get3A_51 = vector.load %arg1[%get3A_48, %get3A_49, %get3A_50] : memref<32x16x32xf32, #tpu.memory_space<vmem>>, vector<1x16x32xf32>
    %get3A_52 = vector.shape_cast %get3A_51 : vector<1x16x32xf32> to vector<16x32xf32>
    %add3A_53 = arith.addf %add3A_47, %get3A_52 : vector<16x32xf32>
    %get3A_54 = arith.constant 9 : index
    %get3A_55 = arith.constant 0 : index
    %get3A_56 = arith.constant 0 : index
    %get3A_57 = vector.load %arg1[%get3A_54, %get3A_55, %get3A_56] : memref<32x16x32xf32, #tpu.memory_space<vmem>>, vector<1x16x32xf32>
    %get3A_58 = vector.shape_cast %get3A_57 : vector<1x16x32xf32> to vector<16x32xf32>
    %add3A_59 = arith.addf %add3A_53, %get3A_58 : vector<16x32xf32>
    %get3A_60 = arith.constant 10 : index
    %get3A_61 = arith.constant 0 : index
    %get3A_62 = arith.constant 0 : index
    %get3A_63 = vector.load %arg1[%get3A_60, %get3A_61, %get3A_62] : memref<32x16x32xf32, #tpu.memory_space<vmem>>, vector<1x16x32xf32>
    %get3A_64 = vector.shape_cast %get3A_63 : vector<1x16x32xf32> to vector<16x32xf32>
    %add3A_65 = arith.addf %add3A_59, %get3A_64 : vector<16x32xf32>
    %get3A_66 = arith.constant 11 : index
    %get3A_67 = arith.constant 0 : index
    %get3A_68 = arith.constant 0 : index
    %get3A_69 = vector.load %arg1[%get3A_66, %get3A_67, %get3A_68] : memref<32x16x32xf32, #tpu.memory_space<vmem>>, vector<1x16x32xf32>
    %get3A_70 = vector.shape_cast %get3A_69 : vector<1x16x32xf32> to vector<16x32xf32>
    %add3A_71 = arith.addf %add3A_65, %get3A_70 : vector<16x32xf32>
    %get3A_72 = arith.constant 12 : index
    %get3A_73 = arith.constant 0 : index
    %get3A_74 = arith.constant 0 : index
    %get3A_75 = vector.load %arg1[%get3A_72, %get3A_73, %get3A_74] : memref<32x16x32xf32, #tpu.memory_space<vmem>>, vector<1x16x32xf32>
    %get3A_76 = vector.shape_cast %get3A_75 : vector<1x16x32xf32> to vector<16x32xf32>
    %add3A_77 = arith.addf %add3A_71, %get3A_76 : vector<16x32xf32>
    %get3A_78 = arith.constant 13 : index
    %get3A_79 = arith.constant 0 : index
    %get3A_80 = arith.constant 0 : index
    %get3A_81 = vector.load %arg1[%get3A_78, %get3A_79, %get3A_80] : memref<32x16x32xf32, #tpu.memory_space<vmem>>, vector<1x16x32xf32>
    %get3A_82 = vector.shape_cast %get3A_81 : vector<1x16x32xf32> to vector<16x32xf32>
    %add3A_83 = arith.addf %add3A_77, %get3A_82 : vector<16x32xf32>
    %get3A_84 = arith.constant 14 : index
    %get3A_85 = arith.constant 0 : index
    %get3A_86 = arith.constant 0 : index
    %get3A_87 = vector.load %arg1[%get3A_84, %get3A_85, %get3A_86] : memref<32x16x32xf32, #tpu.memory_space<vmem>>, vector<1x16x32xf32>
    %get3A_88 = vector.shape_cast %get3A_87 : vector<1x16x32xf32> to vector<16x32xf32>
    %add3A_89 = arith.addf %add3A_83, %get3A_88 : vector<16x32xf32>
    %get3A_90 = arith.constant 15 : index
    %get3A_91 = arith.constant 0 : index
    %get3A_92 = arith.constant 0 : index
    %get3A_93 = vector.load %arg1[%get3A_90, %get3A_91, %get3A_92] : memref<32x16x32xf32, #tpu.memory_space<vmem>>, vector<1x16x32xf32>
    %get3A_94 = vector.shape_cast %get3A_93 : vector<1x16x32xf32> to vector<16x32xf32>
    %add3A_95 = arith.addf %add3A_89, %get3A_94 : vector<16x32xf32>
    %get3A_96 = arith.constant 16 : index
    %get3A_97 = arith.constant 0 : index
    %get3A_98 = arith.constant 0 : index
    %get3A_99 = vector.load %arg1[%get3A_96, %get3A_97, %get3A_98] : memref<32x16x32xf32, #tpu.memory_space<vmem>>, vector<1x16x32xf32>
    %get3A_100 = vector.shape_cast %get3A_99 : vector<1x16x32xf32> to vector<16x32xf32>
    %add3A_101 = arith.addf %add3A_95, %get3A_100 : vector<16x32xf32>
    %get3A_102 = arith.constant 17 : index
    %get3A_103 = arith.constant 0 : index
    %get3A_104 = arith.constant 0 : index
    %get3A_105 = vector.load %arg1[%get3A_102, %get3A_103, %get3A_104] : memref<32x16x32xf32, #tpu.memory_space<vmem>>, vector<1x16x32xf32>
    %get3A_106 = vector.shape_cast %get3A_105 : vector<1x16x32xf32> to vector<16x32xf32>
    %add3A_107 = arith.addf %add3A_101, %get3A_106 : vector<16x32xf32>
    %get3A_108 = arith.constant 18 : index
    %get3A_109 = arith.constant 0 : index
    %get3A_110 = arith.constant 0 : index
    %get3A_111 = vector.load %arg1[%get3A_108, %get3A_109, %get3A_110] : memref<32x16x32xf32, #tpu.memory_space<vmem>>, vector<1x16x32xf32>
    %get3A_112 = vector.shape_cast %get3A_111 : vector<1x16x32xf32> to vector<16x32xf32>
    %add3A_113 = arith.addf %add3A_107, %get3A_112 : vector<16x32xf32>
    %get3A_114 = arith.constant 19 : index
    %get3A_115 = arith.constant 0 : index
    %get3A_116 = arith.constant 0 : index
    %get3A_117 = vector.load %arg1[%get3A_114, %get3A_115, %get3A_116] : memref<32x16x32xf32, #tpu.memory_space<vmem>>, vector<1x16x32xf32>
    %get3A_118 = vector.shape_cast %get3A_117 : vector<1x16x32xf32> to vector<16x32xf32>
    %add3A_119 = arith.addf %add3A_113, %get3A_118 : vector<16x32xf32>
    %get3A_120 = arith.constant 20 : index
    %get3A_121 = arith.constant 0 : index
    %get3A_122 = arith.constant 0 : index
    %get3A_123 = vector.load %arg1[%get3A_120, %get3A_121, %get3A_122] : memref<32x16x32xf32, #tpu.memory_space<vmem>>, vector<1x16x32xf32>
    %get3A_124 = vector.shape_cast %get3A_123 : vector<1x16x32xf32> to vector<16x32xf32>
    %add3A_125 = arith.addf %add3A_119, %get3A_124 : vector<16x32xf32>
    %get3A_126 = arith.constant 21 : index
    %get3A_127 = arith.constant 0 : index
    %get3A_128 = arith.constant 0 : index
    %get3A_129 = vector.load %arg1[%get3A_126, %get3A_127, %get3A_128] : memref<32x16x32xf32, #tpu.memory_space<vmem>>, vector<1x16x32xf32>
    %get3A_130 = vector.shape_cast %get3A_129 : vector<1x16x32xf32> to vector<16x32xf32>
    %add3A_131 = arith.addf %add3A_125, %get3A_130 : vector<16x32xf32>
    %get3A_132 = arith.constant 22 : index
    %get3A_133 = arith.constant 0 : index
    %get3A_134 = arith.constant 0 : index
    %get3A_135 = vector.load %arg1[%get3A_132, %get3A_133, %get3A_134] : memref<32x16x32xf32, #tpu.memory_space<vmem>>, vector<1x16x32xf32>
    %get3A_136 = vector.shape_cast %get3A_135 : vector<1x16x32xf32> to vector<16x32xf32>
    %add3A_137 = arith.addf %add3A_131, %get3A_136 : vector<16x32xf32>
    %get3A_138 = arith.constant 23 : index
    %get3A_139 = arith.constant 0 : index
    %get3A_140 = arith.constant 0 : index
    %get3A_141 = vector.load %arg1[%get3A_138, %get3A_139, %get3A_140] : memref<32x16x32xf32, #tpu.memory_space<vmem>>, vector<1x16x32xf32>
    %get3A_142 = vector.shape_cast %get3A_141 : vector<1x16x32xf32> to vector<16x32xf32>
    %add3A_143 = arith.addf %add3A_137, %get3A_142 : vector<16x32xf32>
    %get3A_144 = arith.constant 24 : index
    %get3A_145 = arith.constant 0 : index
    %get3A_146 = arith.constant 0 : index
    %get3A_147 = vector.load %arg1[%get3A_144, %get3A_145, %get3A_146] : memref<32x16x32xf32, #tpu.memory_space<vmem>>, vector<1x16x32xf32>
    %get3A_148 = vector.shape_cast %get3A_147 : vector<1x16x32xf32> to vector<16x32xf32>
    %add3A_149 = arith.addf %add3A_143, %get3A_148 : vector<16x32xf32>
    %get3A_150 = arith.constant 25 : index
    %get3A_151 = arith.constant 0 : index
    %get3A_152 = arith.constant 0 : index
    %get3A_153 = vector.load %arg1[%get3A_150, %get3A_151, %get3A_152] : memref<32x16x32xf32, #tpu.memory_space<vmem>>, vector<1x16x32xf32>
    %get3A_154 = vector.shape_cast %get3A_153 : vector<1x16x32xf32> to vector<16x32xf32>
    %add3A_155 = arith.addf %add3A_149, %get3A_154 : vector<16x32xf32>
    %get3A_156 = arith.constant 26 : index
    %get3A_157 = arith.constant 0 : index
    %get3A_158 = arith.constant 0 : index
    %get3A_159 = vector.load %arg1[%get3A_156, %get3A_157, %get3A_158] : memref<32x16x32xf32, #tpu.memory_space<vmem>>, vector<1x16x32xf32>
    %get3A_160 = vector.shape_cast %get3A_159 : vector<1x16x32xf32> to vector<16x32xf32>
    %add3A_161 = arith.addf %add3A_155, %get3A_160 : vector<16x32xf32>
    %get3A_162 = arith.constant 27 : index
    %get3A_163 = arith.constant 0 : index
    %get3A_164 = arith.constant 0 : index
    %get3A_165 = vector.load %arg1[%get3A_162, %get3A_163, %get3A_164] : memref<32x16x32xf32, #tpu.memory_space<vmem>>, vector<1x16x32xf32>
    %get3A_166 = vector.shape_cast %get3A_165 : vector<1x16x32xf32> to vector<16x32xf32>
    %add3A_167 = arith.addf %add3A_161, %get3A_166 : vector<16x32xf32>
    %get3A_168 = arith.constant 28 : index
    %get3A_169 = arith.constant 0 : index
    %get3A_170 = arith.constant 0 : index
    %get3A_171 = vector.load %arg1[%get3A_168, %get3A_169, %get3A_170] : memref<32x16x32xf32, #tpu.memory_space<vmem>>, vector<1x16x32xf32>
    %get3A_172 = vector.shape_cast %get3A_171 : vector<1x16x32xf32> to vector<16x32xf32>
    %add3A_173 = arith.addf %add3A_167, %get3A_172 : vector<16x32xf32>
    %get3A_174 = arith.constant 29 : index
    %get3A_175 = arith.constant 0 : index
    %get3A_176 = arith.constant 0 : index
    %get3A_177 = vector.load %arg1[%get3A_174, %get3A_175, %get3A_176] : memref<32x16x32xf32, #tpu.memory_space<vmem>>, vector<1x16x32xf32>
    %get3A_178 = vector.shape_cast %get3A_177 : vector<1x16x32xf32> to vector<16x32xf32>
    %add3A_179 = arith.addf %add3A_173, %get3A_178 : vector<16x32xf32>
    %get3A_180 = arith.constant 30 : index
    %get3A_181 = arith.constant 0 : index
    %get3A_182 = arith.constant 0 : index
    %get3A_183 = vector.load %arg1[%get3A_180, %get3A_181, %get3A_182] : memref<32x16x32xf32, #tpu.memory_space<vmem>>, vector<1x16x32xf32>
    %get3A_184 = vector.shape_cast %get3A_183 : vector<1x16x32xf32> to vector<16x32xf32>
    %add3A_185 = arith.addf %add3A_179, %get3A_184 : vector<16x32xf32>
    %get3A_186 = arith.constant 31 : index
    %get3A_187 = arith.constant 0 : index
    %get3A_188 = arith.constant 0 : index
    %get3A_189 = vector.load %arg1[%get3A_186, %get3A_187, %get3A_188] : memref<32x16x32xf32, #tpu.memory_space<vmem>>, vector<1x16x32xf32>
    %get3A_190 = vector.shape_cast %get3A_189 : vector<1x16x32xf32> to vector<16x32xf32>
    %add3A_191 = arith.addf %add3A_185, %get3A_190 : vector<16x32xf32>
    %get3A_192 = arith.constant 0 : index
    %get3A_193 = arith.constant 0 : index
    %get3A_194 = arith.constant 0 : index
    %get3A_195 = vector.load %arg0[%get3A_192, %get3A_193, %get3A_194] : memref<32x16x256xf32, #tpu.memory_space<vmem>>, vector<1x16x256xf32>
    %get3A_196 = vector.shape_cast %get3A_195 : vector<1x16x256xf32> to vector<16x256xf32>
    %add3A_197 = arith.addf %get3A_1, %get3A_196 : vector<16x256xf32>
    %get3A_198 = arith.constant 1 : index
    %get3A_199 = arith.constant 0 : index
    %get3A_200 = arith.constant 0 : index
    %get3A_201 = vector.load %arg0[%get3A_198, %get3A_199, %get3A_200] : memref<32x16x256xf32, #tpu.memory_space<vmem>>, vector<1x16x256xf32>
    %get3A_202 = vector.shape_cast %get3A_201 : vector<1x16x256xf32> to vector<16x256xf32>
    %add3A_203 = arith.addf %add3A_197, %get3A_202 : vector<16x256xf32>
    %get3A_204 = arith.constant 2 : index
    %get3A_205 = arith.constant 0 : index
    %get3A_206 = arith.constant 0 : index
    %get3A_207 = vector.load %arg0[%get3A_204, %get3A_205, %get3A_206] : memref<32x16x256xf32, #tpu.memory_space<vmem>>, vector<1x16x256xf32>
    %get3A_208 = vector.shape_cast %get3A_207 : vector<1x16x256xf32> to vector<16x256xf32>
    %add3A_209 = arith.addf %add3A_203, %get3A_208 : vector<16x256xf32>
    %get3A_210 = arith.constant 3 : index
    %get3A_211 = arith.constant 0 : index
    %get3A_212 = arith.constant 0 : index
    %get3A_213 = vector.load %arg0[%get3A_210, %get3A_211, %get3A_212] : memref<32x16x256xf32, #tpu.memory_space<vmem>>, vector<1x16x256xf32>
    %get3A_214 = vector.shape_cast %get3A_213 : vector<1x16x256xf32> to vector<16x256xf32>
    %add3A_215 = arith.addf %add3A_209, %get3A_214 : vector<16x256xf32>
    %get3A_216 = arith.constant 4 : index
    %get3A_217 = arith.constant 0 : index
    %get3A_218 = arith.constant 0 : index
    %get3A_219 = vector.load %arg0[%get3A_216, %get3A_217, %get3A_218] : memref<32x16x256xf32, #tpu.memory_space<vmem>>, vector<1x16x256xf32>
    %get3A_220 = vector.shape_cast %get3A_219 : vector<1x16x256xf32> to vector<16x256xf32>
    %add3A_221 = arith.addf %add3A_215, %get3A_220 : vector<16x256xf32>
    %get3A_222 = arith.constant 5 : index
    %get3A_223 = arith.constant 0 : index
    %get3A_224 = arith.constant 0 : index
    %get3A_225 = vector.load %arg0[%get3A_222, %get3A_223, %get3A_224] : memref<32x16x256xf32, #tpu.memory_space<vmem>>, vector<1x16x256xf32>
    %get3A_226 = vector.shape_cast %get3A_225 : vector<1x16x256xf32> to vector<16x256xf32>
    %add3A_227 = arith.addf %add3A_221, %get3A_226 : vector<16x256xf32>
    %get3A_228 = arith.constant 6 : index
    %get3A_229 = arith.constant 0 : index
    %get3A_230 = arith.constant 0 : index
    %get3A_231 = vector.load %arg0[%get3A_228, %get3A_229, %get3A_230] : memref<32x16x256xf32, #tpu.memory_space<vmem>>, vector<1x16x256xf32>
    %get3A_232 = vector.shape_cast %get3A_231 : vector<1x16x256xf32> to vector<16x256xf32>
    %add3A_233 = arith.addf %add3A_227, %get3A_232 : vector<16x256xf32>
    %get3A_234 = arith.constant 7 : index
    %get3A_235 = arith.constant 0 : index
    %get3A_236 = arith.constant 0 : index
    %get3A_237 = vector.load %arg0[%get3A_234, %get3A_235, %get3A_236] : memref<32x16x256xf32, #tpu.memory_space<vmem>>, vector<1x16x256xf32>
    %get3A_238 = vector.shape_cast %get3A_237 : vector<1x16x256xf32> to vector<16x256xf32>
    %add3A_239 = arith.addf %add3A_233, %get3A_238 : vector<16x256xf32>
    %get3A_240 = arith.constant 8 : index
    %get3A_241 = arith.constant 0 : index
    %get3A_242 = arith.constant 0 : index
    %get3A_243 = vector.load %arg0[%get3A_240, %get3A_241, %get3A_242] : memref<32x16x256xf32, #tpu.memory_space<vmem>>, vector<1x16x256xf32>
    %get3A_244 = vector.shape_cast %get3A_243 : vector<1x16x256xf32> to vector<16x256xf32>
    %add3A_245 = arith.addf %add3A_239, %get3A_244 : vector<16x256xf32>
    %get3A_246 = arith.constant 9 : index
    %get3A_247 = arith.constant 0 : index
    %get3A_248 = arith.constant 0 : index
    %get3A_249 = vector.load %arg0[%get3A_246, %get3A_247, %get3A_248] : memref<32x16x256xf32, #tpu.memory_space<vmem>>, vector<1x16x256xf32>
    %get3A_250 = vector.shape_cast %get3A_249 : vector<1x16x256xf32> to vector<16x256xf32>
    %add3A_251 = arith.addf %add3A_245, %get3A_250 : vector<16x256xf32>
    %get3A_252 = arith.constant 10 : index
    %get3A_253 = arith.constant 0 : index
    %get3A_254 = arith.constant 0 : index
    %get3A_255 = vector.load %arg0[%get3A_252, %get3A_253, %get3A_254] : memref<32x16x256xf32, #tpu.memory_space<vmem>>, vector<1x16x256xf32>
    %get3A_256 = vector.shape_cast %get3A_255 : vector<1x16x256xf32> to vector<16x256xf32>
    %add3A_257 = arith.addf %add3A_251, %get3A_256 : vector<16x256xf32>
    %get3A_258 = arith.constant 11 : index
    %get3A_259 = arith.constant 0 : index
    %get3A_260 = arith.constant 0 : index
    %get3A_261 = vector.load %arg0[%get3A_258, %get3A_259, %get3A_260] : memref<32x16x256xf32, #tpu.memory_space<vmem>>, vector<1x16x256xf32>
    %get3A_262 = vector.shape_cast %get3A_261 : vector<1x16x256xf32> to vector<16x256xf32>
    %add3A_263 = arith.addf %add3A_257, %get3A_262 : vector<16x256xf32>
    %get3A_264 = arith.constant 12 : index
    %get3A_265 = arith.constant 0 : index
    %get3A_266 = arith.constant 0 : index
    %get3A_267 = vector.load %arg0[%get3A_264, %get3A_265, %get3A_266] : memref<32x16x256xf32, #tpu.memory_space<vmem>>, vector<1x16x256xf32>
    %get3A_268 = vector.shape_cast %get3A_267 : vector<1x16x256xf32> to vector<16x256xf32>
    %add3A_269 = arith.addf %add3A_263, %get3A_268 : vector<16x256xf32>
    %get3A_270 = arith.constant 13 : index
    %get3A_271 = arith.constant 0 : index
    %get3A_272 = arith.constant 0 : index
    %get3A_273 = vector.load %arg0[%get3A_270, %get3A_271, %get3A_272] : memref<32x16x256xf32, #tpu.memory_space<vmem>>, vector<1x16x256xf32>
    %get3A_274 = vector.shape_cast %get3A_273 : vector<1x16x256xf32> to vector<16x256xf32>
    %add3A_275 = arith.addf %add3A_269, %get3A_274 : vector<16x256xf32>
    %get3A_276 = arith.constant 14 : index
    %get3A_277 = arith.constant 0 : index
    %get3A_278 = arith.constant 0 : index
    %get3A_279 = vector.load %arg0[%get3A_276, %get3A_277, %get3A_278] : memref<32x16x256xf32, #tpu.memory_space<vmem>>, vector<1x16x256xf32>
    %get3A_280 = vector.shape_cast %get3A_279 : vector<1x16x256xf32> to vector<16x256xf32>
    %add3A_281 = arith.addf %add3A_275, %get3A_280 : vector<16x256xf32>
    %get3A_282 = arith.constant 15 : index
    %get3A_283 = arith.constant 0 : index
    %get3A_284 = arith.constant 0 : index
    %get3A_285 = vector.load %arg0[%get3A_282, %get3A_283, %get3A_284] : memref<32x16x256xf32, #tpu.memory_space<vmem>>, vector<1x16x256xf32>
    %get3A_286 = vector.shape_cast %get3A_285 : vector<1x16x256xf32> to vector<16x256xf32>
    %add3A_287 = arith.addf %add3A_281, %get3A_286 : vector<16x256xf32>
    %get3A_288 = arith.constant 16 : index
    %get3A_289 = arith.constant 0 : index
    %get3A_290 = arith.constant 0 : index
    %get3A_291 = vector.load %arg0[%get3A_288, %get3A_289, %get3A_290] : memref<32x16x256xf32, #tpu.memory_space<vmem>>, vector<1x16x256xf32>
    %get3A_292 = vector.shape_cast %get3A_291 : vector<1x16x256xf32> to vector<16x256xf32>
    %add3A_293 = arith.addf %add3A_287, %get3A_292 : vector<16x256xf32>
    %get3A_294 = arith.constant 17 : index
    %get3A_295 = arith.constant 0 : index
    %get3A_296 = arith.constant 0 : index
    %get3A_297 = vector.load %arg0[%get3A_294, %get3A_295, %get3A_296] : memref<32x16x256xf32, #tpu.memory_space<vmem>>, vector<1x16x256xf32>
    %get3A_298 = vector.shape_cast %get3A_297 : vector<1x16x256xf32> to vector<16x256xf32>
    %add3A_299 = arith.addf %add3A_293, %get3A_298 : vector<16x256xf32>
    %get3A_300 = arith.constant 18 : index
    %get3A_301 = arith.constant 0 : index
    %get3A_302 = arith.constant 0 : index
    %get3A_303 = vector.load %arg0[%get3A_300, %get3A_301, %get3A_302] : memref<32x16x256xf32, #tpu.memory_space<vmem>>, vector<1x16x256xf32>
    %get3A_304 = vector.shape_cast %get3A_303 : vector<1x16x256xf32> to vector<16x256xf32>
    %add3A_305 = arith.addf %add3A_299, %get3A_304 : vector<16x256xf32>
    %get3A_306 = arith.constant 19 : index
    %get3A_307 = arith.constant 0 : index
    %get3A_308 = arith.constant 0 : index
    %get3A_309 = vector.load %arg0[%get3A_306, %get3A_307, %get3A_308] : memref<32x16x256xf32, #tpu.memory_space<vmem>>, vector<1x16x256xf32>
    %get3A_310 = vector.shape_cast %get3A_309 : vector<1x16x256xf32> to vector<16x256xf32>
    %add3A_311 = arith.addf %add3A_305, %get3A_310 : vector<16x256xf32>
    %get3A_312 = arith.constant 20 : index
    %get3A_313 = arith.constant 0 : index
    %get3A_314 = arith.constant 0 : index
    %get3A_315 = vector.load %arg0[%get3A_312, %get3A_313, %get3A_314] : memref<32x16x256xf32, #tpu.memory_space<vmem>>, vector<1x16x256xf32>
    %get3A_316 = vector.shape_cast %get3A_315 : vector<1x16x256xf32> to vector<16x256xf32>
    %add3A_317 = arith.addf %add3A_311, %get3A_316 : vector<16x256xf32>
    %get3A_318 = arith.constant 21 : index
    %get3A_319 = arith.constant 0 : index
    %get3A_320 = arith.constant 0 : index
    %get3A_321 = vector.load %arg0[%get3A_318, %get3A_319, %get3A_320] : memref<32x16x256xf32, #tpu.memory_space<vmem>>, vector<1x16x256xf32>
    %get3A_322 = vector.shape_cast %get3A_321 : vector<1x16x256xf32> to vector<16x256xf32>
    %add3A_323 = arith.addf %add3A_317, %get3A_322 : vector<16x256xf32>
    %get3A_324 = arith.constant 22 : index
    %get3A_325 = arith.constant 0 : index
    %get3A_326 = arith.constant 0 : index
    %get3A_327 = vector.load %arg0[%get3A_324, %get3A_325, %get3A_326] : memref<32x16x256xf32, #tpu.memory_space<vmem>>, vector<1x16x256xf32>
    %get3A_328 = vector.shape_cast %get3A_327 : vector<1x16x256xf32> to vector<16x256xf32>
    %add3A_329 = arith.addf %add3A_323, %get3A_328 : vector<16x256xf32>
    %get3A_330 = arith.constant 23 : index
    %get3A_331 = arith.constant 0 : index
    %get3A_332 = arith.constant 0 : index
    %get3A_333 = vector.load %arg0[%get3A_330, %get3A_331, %get3A_332] : memref<32x16x256xf32, #tpu.memory_space<vmem>>, vector<1x16x256xf32>
    %get3A_334 = vector.shape_cast %get3A_333 : vector<1x16x256xf32> to vector<16x256xf32>
    %add3A_335 = arith.addf %add3A_329, %get3A_334 : vector<16x256xf32>
    %get3A_336 = arith.constant 24 : index
    %get3A_337 = arith.constant 0 : index
    %get3A_338 = arith.constant 0 : index
    %get3A_339 = vector.load %arg0[%get3A_336, %get3A_337, %get3A_338] : memref<32x16x256xf32, #tpu.memory_space<vmem>>, vector<1x16x256xf32>
    %get3A_340 = vector.shape_cast %get3A_339 : vector<1x16x256xf32> to vector<16x256xf32>
    %add3A_341 = arith.addf %add3A_335, %get3A_340 : vector<16x256xf32>
    %get3A_342 = arith.constant 25 : index
    %get3A_343 = arith.constant 0 : index
    %get3A_344 = arith.constant 0 : index
    %get3A_345 = vector.load %arg0[%get3A_342, %get3A_343, %get3A_344] : memref<32x16x256xf32, #tpu.memory_space<vmem>>, vector<1x16x256xf32>
    %get3A_346 = vector.shape_cast %get3A_345 : vector<1x16x256xf32> to vector<16x256xf32>
    %add3A_347 = arith.addf %add3A_341, %get3A_346 : vector<16x256xf32>
    %get3A_348 = arith.constant 26 : index
    %get3A_349 = arith.constant 0 : index
    %get3A_350 = arith.constant 0 : index
    %get3A_351 = vector.load %arg0[%get3A_348, %get3A_349, %get3A_350] : memref<32x16x256xf32, #tpu.memory_space<vmem>>, vector<1x16x256xf32>
    %get3A_352 = vector.shape_cast %get3A_351 : vector<1x16x256xf32> to vector<16x256xf32>
    %add3A_353 = arith.addf %add3A_347, %get3A_352 : vector<16x256xf32>
    %get3A_354 = arith.constant 27 : index
    %get3A_355 = arith.constant 0 : index
    %get3A_356 = arith.constant 0 : index
    %get3A_357 = vector.load %arg0[%get3A_354, %get3A_355, %get3A_356] : memref<32x16x256xf32, #tpu.memory_space<vmem>>, vector<1x16x256xf32>
    %get3A_358 = vector.shape_cast %get3A_357 : vector<1x16x256xf32> to vector<16x256xf32>
    %add3A_359 = arith.addf %add3A_353, %get3A_358 : vector<16x256xf32>
    %get3A_360 = arith.constant 28 : index
    %get3A_361 = arith.constant 0 : index
    %get3A_362 = arith.constant 0 : index
    %get3A_363 = vector.load %arg0[%get3A_360, %get3A_361, %get3A_362] : memref<32x16x256xf32, #tpu.memory_space<vmem>>, vector<1x16x256xf32>
    %get3A_364 = vector.shape_cast %get3A_363 : vector<1x16x256xf32> to vector<16x256xf32>
    %add3A_365 = arith.addf %add3A_359, %get3A_364 : vector<16x256xf32>
    %get3A_366 = arith.constant 29 : index
    %get3A_367 = arith.constant 0 : index
    %get3A_368 = arith.constant 0 : index
    %get3A_369 = vector.load %arg0[%get3A_366, %get3A_367, %get3A_368] : memref<32x16x256xf32, #tpu.memory_space<vmem>>, vector<1x16x256xf32>
    %get3A_370 = vector.shape_cast %get3A_369 : vector<1x16x256xf32> to vector<16x256xf32>
    %add3A_371 = arith.addf %add3A_365, %get3A_370 : vector<16x256xf32>
    %get3A_372 = arith.constant 30 : index
    %get3A_373 = arith.constant 0 : index
    %get3A_374 = arith.constant 0 : index
    %get3A_375 = vector.load %arg0[%get3A_372, %get3A_373, %get3A_374] : memref<32x16x256xf32, #tpu.memory_space<vmem>>, vector<1x16x256xf32>
    %get3A_376 = vector.shape_cast %get3A_375 : vector<1x16x256xf32> to vector<16x256xf32>
    %add3A_377 = arith.addf %add3A_371, %get3A_376 : vector<16x256xf32>
    %get3A_378 = arith.constant 31 : index
    %get3A_379 = arith.constant 0 : index
    %get3A_380 = arith.constant 0 : index
    %get3A_381 = vector.load %arg0[%get3A_378, %get3A_379, %get3A_380] : memref<32x16x256xf32, #tpu.memory_space<vmem>>, vector<1x16x256xf32>
    %get3A_382 = vector.shape_cast %get3A_381 : vector<1x16x256xf32> to vector<16x256xf32>
    %add3A_383 = arith.addf %add3A_377, %get3A_382 : vector<16x256xf32>
    %get3A_384 = arith.constant 0 : index
    %get3A_385 = arith.constant 0 : index
    %get3A_386 = vector.load %arg3[%get3A_384, %get3A_385] : memref<16x128xf32, #tpu.memory_space<vmem>>, vector<16x128xf32>
    %iota3A = tpu.iota {dimensions = array<i32: 1>} : vector<16x128xi32>
    %iota3A_387 = tpu.iota {dimensions = array<i32: 1>} : vector<16x32xi32>
    %lt3A = arith.constant 16 : i32
    %lt3A_388 = vector.broadcast %lt3A : i32 to vector<16x32xi32>
    %lt3A_389 = arith.cmpi slt, %iota3A_387, %lt3A_388 : vector<16x32xi32>
    %jit3A = arith.constant 0.000000e+00 : f32
    %broadcast_in_dim3A = vector.broadcast %jit3A : f32 to vector<16x32xf32>
    %select_n3A = arith.select %lt3A_389, %add3A_191, %broadcast_in_dim3A : vector<16x32xi1>, vector<16x32xf32>
    %reduce_sum3A = arith.constant dense<0.000000e+00> : vector<16xf32>
    %reduce_sum3A_390 = vector.multi_reduction <add>, %select_n3A, %reduce_sum3A [1] : vector<16x32xf32> to vector<16xf32>
    %broadcast_in_dim3A_391 = vector.shape_cast %reduce_sum3A_390 : vector<16xf32> to vector<16x1xf32>
    %eq3A = arith.constant 0 : i32
    %eq3A_392 = vector.broadcast %eq3A : i32 to vector<16x128xi32>
    %eq3A_393 = arith.cmpi eq, %iota3A, %eq3A_392 : vector<16x128xi32>
    %jit3A_394 = arith.constant 0.000000e+00 : f32
    %broadcast_in_dim3A_395 = vector.broadcast %jit3A_394 : f32 to vector<16x128xf32>
    %select_n3A_396 = arith.select %eq3A_393, %get3A_386, %broadcast_in_dim3A_395 : vector<16x128xi1>, vector<16x128xf32>
    %reduce_sum3A_397 = arith.constant dense<0.000000e+00> : vector<16xf32>
    %reduce_sum3A_398 = vector.multi_reduction <add>, %select_n3A_396, %reduce_sum3A_397 [1] : vector<16x128xf32> to vector<16xf32>
    %broadcast_in_dim3A_399 = vector.shape_cast %reduce_sum3A_398 : vector<16xf32> to vector<16x1xf32>
    %add3A_400 = arith.addf %broadcast_in_dim3A_391, %broadcast_in_dim3A_399 : vector<16x1xf32>
    %ge3A = arith.constant 16 : i32
    %ge3A_401 = vector.broadcast %ge3A : i32 to vector<16x32xi32>
    %ge3A_402 = arith.cmpi sge, %iota3A_387, %ge3A_401 : vector<16x32xi32>
    %jit3A_403 = arith.constant 0.000000e+00 : f32
    %broadcast_in_dim3A_404 = vector.broadcast %jit3A_403 : f32 to vector<16x32xf32>
    %select_n3A_405 = arith.select %ge3A_402, %add3A_191, %broadcast_in_dim3A_404 : vector<16x32xi1>, vector<16x32xf32>
    %reduce_sum3A_406 = arith.constant dense<0.000000e+00> : vector<16xf32>
    %reduce_sum3A_407 = vector.multi_reduction <add>, %select_n3A_405, %reduce_sum3A_406 [1] : vector<16x32xf32> to vector<16xf32>
    %broadcast_in_dim3A_408 = vector.shape_cast %reduce_sum3A_407 : vector<16xf32> to vector<16x1xf32>
    %div3A = arith.constant 1.600000e+01 : f32
    %div3A_409 = vector.broadcast %div3A : f32 to vector<16x1xf32>
    %div3A_410 = arith.divf %broadcast_in_dim3A_408, %div3A_409 : vector<16x1xf32>
    %eq3A_411 = arith.constant 1 : i32
    %eq3A_412 = vector.broadcast %eq3A_411 : i32 to vector<16x128xi32>
    %eq3A_413 = arith.cmpi eq, %iota3A, %eq3A_412 : vector<16x128xi32>
    %jit3A_414 = arith.constant 0.000000e+00 : f32
    %broadcast_in_dim3A_415 = vector.broadcast %jit3A_414 : f32 to vector<16x128xf32>
    %select_n3A_416 = arith.select %eq3A_413, %get3A_386, %broadcast_in_dim3A_415 : vector<16x128xi1>, vector<16x128xf32>
    %reduce_sum3A_417 = arith.constant dense<0.000000e+00> : vector<16xf32>
    %reduce_sum3A_418 = vector.multi_reduction <add>, %select_n3A_416, %reduce_sum3A_417 [1] : vector<16x128xf32> to vector<16xf32>
    %broadcast_in_dim3A_419 = vector.shape_cast %reduce_sum3A_418 : vector<16xf32> to vector<16x1xf32>
    %add3A_420 = arith.addf %div3A_410, %broadcast_in_dim3A_419 : vector<16x1xf32>
    %max3A = arith.constant 1.000000e+00 : f32
    %max3A_421 = vector.broadcast %max3A : f32 to vector<16x1xf32>
    %max3A_422 = arith.maximumf %add3A_420, %max3A_421 : vector<16x1xf32>
    %mul3A = arith.mulf %add3A_383, %add3A_383 : vector<16x256xf32>
    %reduce_sum3A_423 = arith.constant dense<0.000000e+00> : vector<16xf32>
    %reduce_sum3A_424 = vector.multi_reduction <add>, %mul3A, %reduce_sum3A_423 [1] : vector<16x256xf32> to vector<16xf32>
    %broadcast_in_dim3A_425 = vector.shape_cast %reduce_sum3A_424 : vector<16xf32> to vector<16x1xf32>
    %div3A_426 = arith.divf %broadcast_in_dim3A_425, %max3A_422 : vector<16x1xf32>
    %sub3A = arith.subf %add3A_400, %div3A_426 : vector<16x1xf32>
    %div3A_427 = arith.divf %sub3A, %max3A_422 : vector<16x1xf32>
    %iota3A_428 = tpu.iota {dimensions = array<i32: 0>} : vector<16x1xi32>
    %gt3A = arith.constant 1.000000e+00 : f32
    %gt3A_429 = vector.broadcast %gt3A : f32 to vector<16x1xf32>
    %gt3A_430 = arith.cmpf ogt, %add3A_420, %gt3A_429 : vector<16x1xf32>
    %lt3A_431 = arith.constant 13 : i32
    %lt3A_432 = vector.broadcast %lt3A_431 : i32 to vector<16x1xi32>
    %lt3A_433 = arith.cmpi slt, %iota3A_428, %lt3A_432 : vector<16x1xi32>
    %and3A = arith.andi %gt3A_430, %lt3A_433 : vector<16x1xi1>
    %jit3A_434 = arith.constant 1.000000e+00 : f32
    %jit3A_435 = arith.constant 0.000000e+00 : f32
    %broadcast_in_dim3A_436 = vector.broadcast %jit3A_434 : f32 to vector<16x1xf32>
    %broadcast_in_dim3A_437 = vector.broadcast %jit3A_435 : f32 to vector<16x1xf32>
    %select_n3A_438 = arith.select %and3A, %broadcast_in_dim3A_436, %broadcast_in_dim3A_437 : vector<16x1xi1>, vector<16x1xf32>
    %reduce_sum3A_439 = vector.shape_cast %select_n3A_438 : vector<16x1xf32> to vector<1x16x1xf32>
    %reduce_sum3A_440 = arith.constant dense<0.000000e+00> : vector<1xf32>
    %reduce_sum3A_441 = vector.multi_reduction <add>, %reduce_sum3A_439, %reduce_sum3A_440 [1, 2] : vector<1x16x1xf32> to vector<1xf32>
    %reduce_sum3A_442 = vector.shape_cast %reduce_sum3A_441 : vector<1xf32> to vector<1x1x1xf32>
    %reduce_sum3A_443 = vector.extract %reduce_sum3A_442[0, 0, 0] : f32 from vector<1x1x1xf32>
    %broadcast_in_dim3A_444 = vector.broadcast %reduce_sum3A_443 : f32 to vector<1x1xf32>
    %jit3A_445 = arith.constant 0.000000e+00 : f32
    %broadcast_in_dim3A_446 = vector.broadcast %jit3A_445 : f32 to vector<16x1xf32>
    %select_n3A_447 = arith.select %and3A, %div3A_427, %broadcast_in_dim3A_446 : vector<16x1xi1>, vector<16x1xf32>
    %reduce_sum3A_448 = vector.shape_cast %select_n3A_447 : vector<16x1xf32> to vector<1x16x1xf32>
    %reduce_sum3A_449 = arith.constant dense<0.000000e+00> : vector<1xf32>
    %reduce_sum3A_450 = vector.multi_reduction <add>, %reduce_sum3A_448, %reduce_sum3A_449 [1, 2] : vector<1x16x1xf32> to vector<1xf32>
    %reduce_sum3A_451 = vector.shape_cast %reduce_sum3A_450 : vector<1xf32> to vector<1x1x1xf32>
    %reduce_sum3A_452 = vector.extract %reduce_sum3A_451[0, 0, 0] : f32 from vector<1x1x1xf32>
    %broadcast_in_dim3A_453 = vector.broadcast %reduce_sum3A_452 : f32 to vector<1x1xf32>
    %gt3A_454 = arith.constant 0.000000e+00 : f32
    %gt3A_455 = vector.broadcast %gt3A_454 : f32 to vector<1x1xf32>
    %gt3A_456 = arith.cmpf ogt, %broadcast_in_dim3A_444, %gt3A_455 : vector<1x1xf32>
    %max3A_457 = arith.constant 1.000000e+00 : f32
    %max3A_458 = vector.broadcast %max3A_457 : f32 to vector<1x1xf32>
    %max3A_459 = arith.maximumf %broadcast_in_dim3A_444, %max3A_458 : vector<1x1xf32>
    %div3A_460 = arith.divf %broadcast_in_dim3A_453, %max3A_459 : vector<1x1xf32>
    %jit3A_461 = arith.constant 0.000000e+00 : f32
    %broadcast_in_dim3A_462 = vector.broadcast %jit3A_461 : f32 to vector<1x1xf32>
    %select_n3A_463 = arith.select %gt3A_456, %div3A_460, %broadcast_in_dim3A_462 : vector<1x1xi1>, vector<1x1xf32>
    %swap3A = arith.constant 0 : index
    %swap3A_464 = arith.constant 0 : index
    %swap3A_465 = vector.load %arg4[%swap3A, %swap3A_464] : memref<1x1xf32, #tpu.memory_space<vmem>>, vector<1x1xf32>
    tpu.vector_store %arg4[%swap3A, %swap3A_464], %select_n3A_463 {strides = array<i32>} : memref<1x1xf32, #tpu.memory_space<vmem>>, vector<1x1xf32>,
    return
  }
}

</mosaic_0001>

<sc_bundles>
// kernel: kernel.5.cloned.1.call-start
scs
__scs_entry_jumppad:
0x0: {  	(pc) =	sbr.rel $0x88, $3  }
0x1: {  	(tag) =	ssettag $0x0;
	lr =	simm.s32 $0x1  }
0x2: {  	[smem:$0x3F9F] =	sst lr;
	_ =	strace $0xD0000000  }
0x3: {  	_ = 	snop  }
0x4: {  	_ = 	snop  }
0x5: {  	_ = 	snop  }
0x6: {  	_ = 	snop  }
0x7: {  	_ = 	snop  }
__scs_overlays_trampoline_lowered:
0x8: {  	[smem:$0x3FAE] =	sst s0  }
0x9: {  	[smem:$0x3FAF] =	sst s1  }
0xa: {  	[smem:$0x3FB0] =	sst s2  }
0xb: {  	[smem:$0x3FB1] =	sst s3  }
0xc: {  	[smem:$0x3FB2] =	sst s4  }
0xd: {  	[smem:$0x3FB3] =	sst s5  }
0xe: {  	[smem:$0x3FB4] =	sst s6  }
0xf: {  	[smem:$0x3FB5] =	sst s7  }
0x10: {  	[smem:$0x3FB6] =	sst s8  }
0x11: {  	[smem:$0x3FB7] =	sst s9;
	s0 =	simm.s32 @!p0 $0x0  }
0x12: {  	s1 =	sld [smem:$0x3F9D];
	s0 =	simm.s32 @p0 $0x1  }
0x13: {  	[smem:$0x3FB8] =	sst s0;
	s0 =	simm.s32 @!p1 $0x0  }
0x14: {  	s2 =	sld [smem:$0x3F9C];
	s0 =	simm.s32 @p1 $0x1  }
0x15: {  	[smem:$0x3FB9] =	sst s0;
	s0 =	simm.s32 @!p2 $0x0  }
0x16: {  	s3 =	sld [smem:$0x3FDB];
	s0 =	simm.s32 @p2 $0x1  }
0x17: {  	s4 =	simm.s32 $0x1BF5;
	[smem:$0x3FBB] =	sst s0  }
0x18: {  	s0 =	sld [smem:$0x3F9E];
	_ =	swait.ge [sflag:s4], $0x0  }
0x19: {  	s7 =	sld [smem:$0x3F9F]  }
0x1a: {  	s8 =	sadd.s32 $0xFFFFE003, lr  }
0x1b: {  	s9 =	sadd.s32 $0xFFFFFEF7, lr;
	s5 =	simm.s32 $0xFFFFFFFF;
	p2 =	slt.u32 s8, $0xFFFFF086  }
0x1c: {  	p1 =	slt.u32 s9, $0xF7A;
	s5 =	simm.s32 @!p2 $0x0  }
0x1d: {  	s5 =	simm.s32 @p1 $0x1;
	p0 =	seq.s32 s7, s2  }
0x1e: {  	s7 =	smul.u32 @!p0 $0xF7A, s2;
	p2 =	seq.s32 @!p0 s5, $0x0  }
0x1f: {  	s9 =	smul.u32 $0xF7A, s1;
	s8 =	simm.s32 @!p0 $0x1BF5;
	p2 =	por !p2, p0  }
0x20: {  	[sflag:s8] =	ssyncset.s32 @!p0 $0xFFFFF086;
	s6 =	sadd.s32 @!p0 s3, s7;
	s7 =	simm.s32 @!p0 $0x108  }
0x21: {  	s3 =	sadd.s32 s3, s9;
	s6 =	sadd.s32 @!p0 $0x88, s6;
	s7 =	simm.s32 @p2 $0x1082  }
0x22: {  	[simem:s7], [sflag:s8] =	dma.local @!p0 [hbm:s6], $0xF7A  }
0x23: {  	s9 =	sor.u32 $0xD0000000, s2;
	s6 =	simm.s32 $0x108;
	_ =	swait.ge @!p0 [sflag:s8], $0x0  }
0x24: {  	s3 =	sadd.s32 $0x88, s3;
	s6 =	simm.s32 @!p1 $0x1082;
	[sflag:s4] =	ssyncset.s32 $0xFFFFF086  }
0x25: {  	[simem:s6], [sflag:s4] =	dma.local [hbm:s3], $0xF7A  }
0x26: {  	[smem:$0x3F9F] =	sst s1;
	(tag) =	ssettag s2;
	_ =	strace s9  }
0x27: {  	s1 =	sld [smem:$0x3FAF]  }
0x28: {  	s2 =	sld [smem:$0x3FB0]  }
0x29: {  	s4 =	sld [smem:$0x3FB2]  }
0x2a: {  	p0 =	seq.s32 s5, $0x0;
	s5 =	sld [smem:$0x3FB3]  }
0x2b: {  	s6 =	sld [smem:$0x3FB4]  }
0x2c: {  	s7 =	sld [smem:$0x3FB5]  }
0x2d: {  	s3 =	simm.s32 $0x108;
	s8 =	sld [smem:$0x3FB6]  }
0x2e: {  	s3 =	simm.s32 @!p0 $0x1082;
	s9 =	sld [smem:$0x3FB7]  }
0x2f: {  	lr =	sadd.s32 s0, s3;
	s0 =	sld [smem:$0x3FAE]  }
0x30: {  	s3 =	sld [smem:$0x3FB1]  }
0x31: {  	[smem:$0x3FBA] =	sst s10  }
0x32: {  	s10 =	sld [smem:$0x3FB8];
	_ =	sdelay $0x3  }
0x33: {  	p0 =	seq.s32 s10, $0x1;
	s10 =	sld [smem:$0x3FBA];
	_ =	sdelay $0x3  }
0x34: {  	[smem:$0x3FBA] =	sst s10  }
0x35: {  	s10 =	sld [smem:$0x3FB9];
	_ =	sdelay $0x3  }
0x36: {  	p1 =	seq.s32 s10, $0x1;
	s10 =	sld [smem:$0x3FBA];
	_ =	sdelay $0x3  }
0x37: {  	[smem:$0x3FBA] =	sst s10  }
0x38: {  	s10 =	sld [smem:$0x3FBB]  }
0x39: {  	_ = 	snop;
	(pc) =	sbr.ind lr, $3  }
0x3a: {  	_ = 	snop  }
0x3b: {  	_ = 	snop  }
0x3c: {  	p2 =	seq.s32 s10, $0x1;
	s10 =	sld [smem:$0x3FBA]  }
0x3d: {  	_ =	shalt  }
0x3e: {  	_ =	shalt  }
0x3f: {  	_ =	shalt  }
0x40: {  	_ =	shalt  }
0x41: {  	_ =	shalt  }
0x42: {  	_ =	shalt  }
0x43: {  	_ =	shalt  }
0x44: {  	_ =	shalt  }
0x45: {  	_ =	shalt  }
0x46: {  	_ =	shalt  }
0x47: {  	_ =	shalt  }
0x48: {  	_ =	shalt  }
0x49: {  	_ =	shalt  }
0x4a: {  	_ =	shalt  }
0x4b: {  	_ =	shalt  }
0x4c: {  	_ =	shalt  }
0x4d: {  	_ =	shalt  }
0x4e: {  	_ =	shalt  }
0x4f: {  	_ =	shalt  }
0x50: {  	_ =	shalt  }
0x51: {  	_ =	shalt  }
0x52: {  	_ =	shalt  }
0x53: {  	_ =	shalt  }
0x54: {  	_ =	shalt  }
0x55: {  	_ =	shalt  }
0x56: {  	_ =	shalt  }
0x57: {  	_ =	shalt  }
0x58: {  	_ =	shalt  }
0x59: {  	_ =	shalt  }
0x5a: {  	_ =	shalt  }
0x5b: {  	_ =	shalt  }
0x5c: {  	_ =	shalt  }
0x5d: {  	_ =	shalt  }
0x5e: {  	_ =	shalt  }
0x5f: {  	_ =	shalt  }
0x60: {  	_ =	shalt  }
0x61: {  	_ =	shalt  }
0x62: {  	_ =	shalt  }
0x63: {  	_ =	shalt  }
0x64: {  	_ =	shalt  }
0x65: {  	_ =	shalt  }
0x66: {  	_ =	shalt  }
0x67: {  	_ =	shalt  }
0x68: {  	_ =	shalt  }
0x69: {  	_ =	shalt  }
0x6a: {  	_ =	shalt  }
0x6b: {  	_ =	shalt  }
0x6c: {  	_ =	shalt  }
0x6d: {  	_ =	shalt  }
0x6e: {  	_ =	shalt  }
0x6f: {  	_ =	shalt  }
0x70: {  	_ =	shalt  }
0x71: {  	_ =	shalt  }
0x72: {  	_ =	shalt  }
0x73: {  	_ =	shalt  }
0x74: {  	_ =	shalt  }
0x75: {  	_ =	shalt  }
0x76: {  	_ =	shalt  }
0x77: {  	_ =	shalt  }
0x78: {  	_ =	shalt  }
0x79: {  	_ =	shalt  }
0x7a: {  	_ =	shalt  }
0x7b: {  	_ =	shalt  }
0x7c: {  	_ =	shalt  }
0x7d: {  	_ =	shalt  }
0x7e: {  	_ =	shalt  }
0x7f: {  	_ =	shalt  }
0x80: {  	_ =	shalt  }
0x81: {  	_ =	shalt  }
0x82: {  	_ =	shalt  }
0x83: {  	_ =	shalt  }
0x84: {  	_ =	shalt  }
0x85: {  	_ =	shalt  }
0x86: {  	_ =	shalt  }
0x87: {  	_ =	shalt  }
.Lfunc_end0:
.L_simem_size_0:
called_computation_lowered:
.L_overlay_start_0:
0x88: {  	s2 =	sld [smem:$0x3FD9]  }
0x89: {  	s3 =	sld [smem:$0x3FFE];
	_ =	sdelay $0x1  }
0x8a: {  	s1 =	srdreg.scid  }
0x8b: {  	s0 =	sand.u32 $0x1, s1  }
0x8c: {  	s17 =	sshll.u32 s0, $0xA;
	s2 =	sadd.s32 s3, s2  }
0x8d: {  	s2 =	sadd.s32 s2, s17  }
0x8e: {  	[smem:$0x3FC6] =	sst s2  }
0x8f: {  	_ = 	snop  }
0x90: {  	s2 =	sld [smem:$0x3FC9]  }
0x91: {  	s18 =	sld [smem:$0x3FC8];
	(tm) =	ssettm $0x1  }
0x92: {  	s4 =	sld [smem:$0x3FFB];
	_ =	sdelay $0x3  }
0x93: {  	_ =	strace s4  }
0x94: {  	s4 =	sld [smem:$0x3FFC];
	_ =	sdelay $0x3  }
0x95: {  	_ =	strace s4  }
0x96: {  	s4 =	sld [smem:$0x3FFD];
	_ =	sdelay $0x3  }
0x97: {  	_ =	strace s4  }
0x98: {  	_ =	strace $0x8FFFFFFF  }
0x99: {  	s19 =	sld [smem:$0x3FDB];
	_ =	sdelay $0x1  }
0x9a: {  	s5 =	simm.s32 $_scs_section_size  }
0x9b: {  	s6 =	simm.s32 $_size__tile_overlayer_lowered;
	s7 =	simm.s32 $_tile_overlayer_lowered  }
0x9c: {  	s22 =	simm.s32 $0x1BFF;
	s21 =	sshll.u32 s7, $0x1;
	s4 =	sadd.s32 s5, s19  }
0x9d: {  	s8 =	simm.s32 $0x0;
	s20 =	sshll.u32 s6, $0x1;
	s6 =	sadd.s32 s21, s4  }
0x9e: {  	[timem:s8], [sflag:s22] =	dma.local [hbm:s6], s20  }
0x9f: {  	_ =	swait.ge [sflag:s22], s20  }
0xa0: {  	s5 =	ssub.s32 $0x0, s20;
	[sflag:s22] =	ssyncset.done $0x0  }
0xa1: {  	[sflag:s22] =	ssyncadd.s32 s5;
	_ =	sdelay $0x1  }
0xa2: {  	s23 =	simm.s32 $0x1B8B  }
0xa3: {  	_ =	swait.ge [sflag:s23], $0x1  }
0xa4: {  	[sflag:s23] =	ssyncset.done $0x0  }
0xa5: {  	s25 =	simm.s32 $0x1B8E;
	s24 =	sld [smem:$0x3FFE];
	[sflag:s23] =	ssyncadd.s32 $0xFFFFFFFF  }
0xa6: {  	s26 =	simm.s32 $execute0_lowered;
	[smem:$0x3FD2] =	sst s25  }
0xa7: {  	s6 =	sshll.u32 s26, $0x1;
	_ =	strace $0x80000046;
	[dreg:$0x1] =	wrdreg $0xFFFFFFFF  }
0xa8: {  	s28 =	simm.s32 $_size_execute0_lowered;
	s4 =	sadd.s32 s4, s6;
	[dreg:$0x0] =	wrdreg $0x0  }
0xa9: {  	s6 =	sshll.u32 s28, $0x1;
	[dreg:$0x2] =	wrdreg s4  }
0xaa: {  	[dreg:$0x3] =	wrdreg s6  }
0xab: {  	[dreg:$0x4] =	wrdreg $0xC0  }
0xac: {  	_ =	task [dreg:s8], $0x5FFFF  }
0xad: {  	[dreg:$0x1] =	wrdreg $0xFFFFFFFF  }
0xae: {  	[dreg:$0x0] =	wrdreg $0x60  }
0xaf: {  	[dreg:$0x2] =	wrdreg s2  }
0xb0: {  	[dreg:$0x3] =	wrdreg s18  }
0xb1: {  	[dreg:$0x4] =	wrdreg s24  }
0xb2: {  	[dreg:$0x5] =	wrdreg $0x9  }
0xb3: {  	_ =	task.clear_ibuf [dreg:s8], $0x6FFFF;
	_ =	strace $0x90000046  }
0xb4: {  	s29 =	simm.s32 $0x9;
	_ =	strace $0x80000048  }
0xb5: {  	_ =	swait.ge [sflag:s29], $0x1  }
0xb6: {  	[sflag:s29] =	ssyncadd.s32 $0xFFFFFFFF  }
0xb7: {  	_ =	strace $0x90000048  }
0xb8: {  	_ =	sfence  }
0xb9: {  	s30 =	sld [smem:$0x0];
	_ =	sdelay $0x2  }
0xba: {  	s31 =	sshll.u32 s1, $0xD;
	s1 =	sshrl.u32 s1, $0x2  }
0xbb: {  	s3 =	sand.u32 $0x4000, s31;
	s1 =	sadd.s32 s1, s30  }
0xbc: {  	s0 =	sor.u32 s3, s0;
	s1 =	sshll.u32 s1, $0x11  }
0xbd: {  	s0 =	sor.u32 s1, s0  }
0xbe: {  	s0 =	sadd.s32 $0x8F2B, s0  }
0xbf: {  	[sflag:s0] =	ssyncadd.remote.s32 $0x1  }
0xc0: {  	_ =	sfence.sel $0xFFFF  }
0xc1: {  	[dreg:$0x0] =	wrdreg $0xFFFFFFFF;
	(pc) =	sbr.abs _section_cstart, $3  }
0xc2: {  	[dreg:$0x1] =	wrdreg $0xFFFFFFFF  }
0xc3: {  	_ =	task.clear_ibuf [dreg:s8], $0x2FFFF;
	_ =	strace $0x9FFFFFFF  }
0xc4: {  	(tm) =	ssettm $0x7FFFFFFF  }
0xc5: {  	_ =	shalt  }
tec
execute0_lowered:
.L_overlay_start_1:
0x0: {  	(tag) =	ssettag $0x1  }
0x1: {  	s1 =	rddreg [dreg:$0x0]  }
0x2: {  	s3 =	rddreg [dreg:$0x1]  }
0x3: {  	s0 =	rddreg [dreg:$0x2];
	s5 =	srdreg.scid  }
0x4: {  	s2 =	stileid.u32;
	s4 =	simm.s32 $0x0;
	s13 =	simm.s32 $0x10000  }
0x5: {  	s14 =	simm.s32 $0x8000;
	s15 =	simm.s32 $0x10080;
	s16 =	simm.s32 $0x10100  }
0x6: {  	s17 =	simm.s32 $0x5;
	s18 =	simm.s32 $0x11100;
	s19 =	simm.s32 $0x0  }
0x7: {  	s5 =	sand.u32 $0x1, s5;
	s6 =	sshll.u32 s2, $0x1;
	[smem:$0x7FF] =	sst s4  }
0x8: {  	s6 =	sor.u32 s5, s6;
	_ =	strace $0x80000047;
	s5 =	ssub.s32 $0x2, s5  }
0x9: {  	s7 =	sshll.u32 s6, $0x9;
	s28 =	sshll.u32 s6, $0x8;
	s29 =	sshrl.u32 s5, $0x1  }
0xa: {  	s9 =	sshll.u32 s6, $0xA;
	s30 =	sshll.u32 s6, $0xF;
	s6 =	sshll.u32 s6, $0x7  }
.Ltmp0:
0xb: {  	s10 =	sadd.s32 s7, s0;
	s0 =	sadd.s32 s28, s0;
	(pc) =	sbr.rel .LBB2_1-.Ltmp0, $4  }
0xc: {  	s12 =	ssub.s32 s5, s29;
	s8 =	sor.u32 $0x80, s9;
	s5 =	sadd.s32 s1, s30  }
0xd: {  	s6 =	sadd.s32 s3, s6;
	s9 =	sor.u32 $0x100, s9;
	s31 =	sshll.u32 s8, $0x5  }
0xe: {  	s8 =	sshrl.u32 s8, $0x3;
	s10 =	sadd.s32 $0x1000, s10;
	s11 =	sadd.s32 $0x5000, s0  }
0xf: {  	v0 =	vimm.f32 $0.0e+00;
	s12 =	smax.u32 s12, $0x1;
	s7 =	sadd.s32 s1, s31;
	s8 =	sadd.s32 s3, s8  }
.LBB2_19:
0x10: {  	[hbm4b:s10+s4] =	stream.linear.scatter [tilespmem:s16], [sflag:$0x5], $0x1000, $0x38;
	[tilespmem:$0x11900] =	vst v63  }
0x11: {  	s19 =	sadd.s32 $0x1, s19;
	_ =	swait.ge [sflag:s17], $0x1000  }
0x12: {  	p0 =	sne.s32 s19, s12;
	[sflag:s17] =	ssyncset.done $0x0  }
.Ltmp1:
0x13: {  	[sflag:s17] =	ssyncadd.s32 $0xFFFFF000;
	(pc) =	sbr.rel @!p0 .LBB2_20-.Ltmp1, $4  }
0x14: {  	[hbm4b:s11+s4] =	stream.linear.scatter [tilespmem:s18], [sflag:$0x5], $0x800, $0x38;
	[tilespmem:$0x11900] =	vst v63  }
0x15: {  	_ =	swait.ge [sflag:s17], $0x800  }
0x16: {  	[sflag:s17] =	ssyncset.done $0x0  }
0x17: {  	[sflag:s17] =	ssyncadd.s32 $0xFFFFF800  }
.LBB2_1:
0x18: {  	s0 =	sand.u32 $0x800, s4;
	s20 =	sand.u32 $0x380, s4  }
0x19: {  	s0 =	sor.u32 s20, s0  }
0x1a: {  	s21 =	sadd.s32 $0x10100, s0;
	[tilespmem:s0+$0x10100] =	vst v0  }
0x1b: {  	[tilespmem:s21+$0x50] =	vst v0  }
0x1c: {  	[tilespmem:s21+$0x60] =	vst v0  }
0x1d: {  	[tilespmem:s21+$0x70] =	vst v0  }
0x1e: {  	[tilespmem:s21+$0x400] =	vst v0  }
0x1f: {  	[tilespmem:s21+$0x410] =	vst v0  }
0x20: {  	[tilespmem:s21+$0x420] =	vst v0  }
0x21: {  	[tilespmem:s21+$0x430] =	vst v0  }
0x22: {  	[tilespmem:s21+$0x440] =	vst v0  }
0x23: {  	[tilespmem:s21+$0x450] =	vst v0  }
0x24: {  	[tilespmem:s21+$0x460] =	vst v0  }
0x25: {  	[tilespmem:s21+$0x470] =	vst v0  }
0x26: {  	[tilespmem:s21+$0x10] =	vst v0  }
0x27: {  	[tilespmem:s21+$0x20] =	vst v0  }
0x28: {  	s22 =	simm.s32 $0x100;
	s20 =	simm.s32 $0x80;
	[tilespmem:s21+$0x30] =	vst v0  }
0x29: {  	s22 =	sand.u32 $0x800, s22;
	s0 =	simm.s32 $0x11110;
	s23 =	sand.u32 $0x380, s20;
	[tilespmem:s21+$0x40] =	vst v0  }
0x2a: {  	s22 =	sor.u32 s23, s22;
	[tilespmem:s0+$0x0] =	vst v0  }
0x2b: {  	s21 =	sadd.s32 $0x10100, s22;
	[tilespmem:s0+$0xFFFFFFF0] =	vst v0  }
0x2c: {  	[tilespmem:s21+$0x50] =	vst v0  }
0x2d: {  	[tilespmem:s21+$0x60] =	vst v0  }
0x2e: {  	[tilespmem:s21+$0x70] =	vst v0  }
0x2f: {  	[tilespmem:s21+$0x400] =	vst v0  }
0x30: {  	[tilespmem:s21+$0x410] =	vst v0  }
0x31: {  	[tilespmem:s21+$0x420] =	vst v0  }
0x32: {  	[tilespmem:s21+$0x430] =	vst v0  }
0x33: {  	[tilespmem:s21+$0x440] =	vst v0  }
0x34: {  	[tilespmem:s21+$0x450] =	vst v0  }
0x35: {  	[tilespmem:s21+$0x460] =	vst v0  }
0x36: {  	[tilespmem:s21+$0x470] =	vst v0  }
0x37: {  	[tilespmem:s22+$0x10100] =	vst v0  }
0x38: {  	[tilespmem:s21+$0x10] =	vst v0  }
0x39: {  	s22 =	simm.s32 $0x200;
	[tilespmem:s21+$0x20] =	vst v0  }
.LBB2_2:
0x3a: {  	p0 =	sne.s32 s22, $0xF00;
	[tilespmem:s21+$0x30] =	vst v0;
	s20 =	sadd.s32 $0x80, s20  }
0x3b: {  	s23 =	sand.u32 $0x800, s22;
	s0 =	sadd.s32 $0x80, s0;
	s24 =	sand.u32 $0x380, s20;
	[tilespmem:s21+$0x40] =	vst v0  }
0x3c: {  	s23 =	sor.u32 s24, s23;
	[tilespmem:s0+$0x0] =	vst v0  }
0x3d: {  	s21 =	sadd.s32 $0x10100, s23;
	[tilespmem:s0+$0xFFFFFFF0] =	vst v0  }
0x3e: {  	[tilespmem:s21+$0x50] =	vst v0  }
0x3f: {  	[tilespmem:s21+$0x60] =	vst v0  }
0x40: {  	[tilespmem:s21+$0x70] =	vst v0  }
0x41: {  	[tilespmem:s21+$0x400] =	vst v0  }
0x42: {  	[tilespmem:s21+$0x410] =	vst v0  }
0x43: {  	[tilespmem:s21+$0x420] =	vst v0  }
0x44: {  	[tilespmem:s21+$0x430] =	vst v0  }
0x45: {  	[tilespmem:s21+$0x440] =	vst v0  }
0x46: {  	[tilespmem:s21+$0x450] =	vst v0  }
.Ltmp2:
0x47: {  	[tilespmem:s21+$0x460] =	vst v0;
	(pc) =	sbr.rel @p0 .LBB2_2-.Ltmp2, $4  }
0x48: {  	[tilespmem:s21+$0x470] =	vst v0  }
0x49: {  	[tilespmem:s23+$0x10100] =	vst v0  }
0x4a: {  	[tilespmem:s21+$0x10] =	vst v0  }
0x4b: {  	s22 =	sadd.s32 $0x100, s22;
	[tilespmem:s21+$0x20] =	vst v0  }
0x4c: {  	[tilespmem:s21+$0x30] =	vst v0  }
0x4d: {  	[tilespmem:s21+$0x40] =	vst v0;
	s0 =	sadd.s32 $0x80, s0  }
0x4e: {  	[tilespmem:s0+$0x0] =	vst v0  }
0x4f: {  	s20 =	simm.s32 $0x0;
	[tilespmem:s0+$0xFFFFFFF0] =	vst v0  }
0x50: {  	[tilespmem:s20], [sflag:$0x1] =	stream.linear.gather [hbm4b:s5+s20], $0x8000, $0x38;
	[tilespmem:$0x11900] =	vst v63  }
0x51: {  	_ = 	snop  }
0x52: {  	[tilespmem:s13], [sflag:$0x3] =	stream.linear.gather [hbm4b:s6+s20], $0x80, $0x38;
	[tilespmem:$0x11900] =	vst v63  }
.Ltmp3:
0x53: {  	_ = 	snop;
	(pc) =	sbr.rel .LBB2_4-.Ltmp3, $4  }
0x54: {  	_ = 	snop  }
0x55: {  	[tilespmem:s14], [sflag:$0x2] =	stream.linear.gather [hbm4b:s7+s20], $0x8000, $0x38;
	[tilespmem:$0x11900] =	vst v63  }
0x56: {  	p0 =	por $0x0, $0x0;
	s21 =	simm.s32 $0x0  }
0x57: {  	[tilespmem:s15], [sflag:$0x4] =	stream.linear.gather [hbm4b:s8+s20], $0x80, $0x38;
	[tilespmem:$0x11900] =	vst v63  }
.LBB2_18:
0x58: {  	p1 =	sgt.u32 s21, $0x5  }
0x59: {  	s0 =	sshll.u32 @!p1 s21, $0x7  }
0x5a: {  	s0 =	sadd.s32 @!p1 s0, s9  }
0x5b: {  	s2 =	sshll.u32 @!p1 s0, $0x5  }
0x5c: {  	s26 =	simm.s32 @!p1 $0x0;
	s0 =	sshrl.u32 @!p1 s0, $0x3;
	s2 =	sadd.s32 @!p1 s1, s2  }
0x5d: {  	[tilespmem:s24], [sflag:s25] =	stream.linear.gather @!p1 [hbm4b:s2+s26], $0x8000, $0x38;
	[tilespmem:$0x11900] =	vst v63  }
0x5e: {  	s21 =	sadd.s32 $0x1, s21;
	s0 =	sadd.s32 @!p1 s3, s0  }
0x5f: {  	[tilespmem:s23], [sflag:s22] =	stream.linear.gather @!p1 [hbm4b:s0+s26], $0x80, $0x38;
	[tilespmem:$0x11900] =	vst v63  }
0x60: {  	p1 =	sne.s32 s21, $0x8  }
.Ltmp4:
0x61: {  	_ = 	snop;
	(pc) =	sbr.rel @!p1 .LBB2_19-.Ltmp4, $2  }
0x62: {  	_ =	sdelay $0x2  }
0x63: {  	p0 =	por !p0, !p0  }
.LBB2_4:
0x64: {  	s0 =	simm.s32 $0x1  }
0x65: {  	s0 =	simm.s32 @!p0 $0x0  }
0x66: {  	s0 =	sshll.u32 s0, $0x7  }
0x67: {  	s0 =	sor.u32 $0x10000, s0  }
0x68: {  	s24 =	sand.u32 $0x1, s21;
	v1 =	vmov s0  }
0x69: {  	s22 =	sadd.s32 $0x3, s24  }
0x6a: {  	_ =	swait.ge [sflag:s22], $0x80  }
0x6b: {  	[sflag:s22] =	ssyncset.done $0x0  }
0x6c: {  	s31 =	simm.s32 $0x0;
	[sflag:s22] =	ssyncadd.s32 $0xFFFFFF80  }
0x6d: {  	v2 =	vld.idx.msk [tilespmem:v1+s31+$0x0 ss:$0x1], $0xffff;
	_ =	sdelay $0x4  }
0x6e: {  	(v2sf) =	vpush v2, $0x0;
	_ =	sdelay $0x2  }
0x6f: {  	[smem:$0x100] =	sst s20  }
0x70: {  	[smem:$0x101] =	sst s20  }
0x71: {  	[smem:$0x102] =	sst s20  }
0x72: {  	[smem:$0x103] =	sst s20;
	(v2sf) =	vpush v2, $0x1  }
0x73: {  	[smem:$0x104] =	sst s20  }
0x74: {  	[smem:$0x105] =	sst s20  }
0x75: {  	[smem:$0x106] =	sst s20  }
0x76: {  	[smem:$0x107] =	sst s20  }
0x77: {  	[smem:$0x108] =	sst s20  }
0x78: {  	[smem:$0x109] =	sst s20;
	(v2sf) =	vpush v2, $0x2  }
0x79: {  	[smem:$0x10A] =	sst s20  }
0x7a: {  	[smem:$0x10B] =	sst s20  }
0x7b: {  	[smem:$0x10C] =	sst s20;
	s23 =	spop (v2sf)  }
0x7c: {  	[smem:s31] =	sst s23  }
0x7d: {  	s0 =	sld [smem:s23+$0x100]  }
0x7e: {  	(v2sf) =	vpush v2, $0x3;
	_ =	sdelay $0x1  }
0x7f: {  	s0 =	sadd.s32 $0x1, s0  }
0x80: {  	s2 =	spop (v2sf);
	[smem:s23+$0x100] =	sst s0  }
0x81: {  	[smem:$0x1] =	sst s2  }
0x82: {  	s25 =	sld [smem:s2+$0x100]  }
0x83: {  	(v2sf) =	vpush v2, $0x4;
	_ =	sdelay $0x1  }
0x84: {  	s23 =	sadd.s32 $0x1, s25  }
0x85: {  	s26 =	spop (v2sf);
	[smem:s2+$0x100] =	sst s23  }
0x86: {  	[smem:$0x2] =	sst s26  }
0x87: {  	s30 =	sld [smem:s26+$0x100]  }
0x88: {  	(v2sf) =	vpush v2, $0x5;
	_ =	sdelay $0x1  }
0x89: {  	s23 =	sadd.s32 $0x1, s30  }
0x8a: {  	s31 =	spop (v2sf);
	[smem:s26+$0x100] =	sst s23  }
0x8b: {  	[smem:$0x3] =	sst s31  }
0x8c: {  	s2 =	sld [smem:s31+$0x100]  }
0x8d: {  	(v2sf) =	vpush v2, $0x6;
	_ =	sdelay $0x1  }
0x8e: {  	s23 =	sadd.s32 $0x1, s2  }
0x8f: {  	[smem:s31+$0x100] =	sst s23;
	s25 =	spop (v2sf)  }
0x90: {  	[smem:$0x4] =	sst s25  }
0x91: {  	s26 =	sld [smem:s25+$0x100]  }
0x92: {  	(v2sf) =	vpush v2, $0x7;
	_ =	sdelay $0x1  }
0x93: {  	s23 =	sadd.s32 $0x1, s26  }
0x94: {  	s30 =	spop (v2sf);
	[smem:s25+$0x100] =	sst s23  }
0x95: {  	[smem:$0x5] =	sst s30  }
0x96: {  	s31 =	sld [smem:s30+$0x100]  }
0x97: {  	(v2sf) =	vpush v2, $0x8;
	_ =	sdelay $0x1  }
0x98: {  	s23 =	sadd.s32 $0x1, s31  }
0x99: {  	s2 =	spop (v2sf);
	[smem:s30+$0x100] =	sst s23  }
0x9a: {  	[smem:$0x6] =	sst s2  }
0x9b: {  	s25 =	sld [smem:s2+$0x100]  }
0x9c: {  	(v2sf) =	vpush v2, $0x9;
	_ =	sdelay $0x1  }
0x9d: {  	s23 =	sadd.s32 $0x1, s25  }
0x9e: {  	[smem:s2+$0x100] =	sst s23;
	s26 =	spop (v2sf)  }
0x9f: {  	[smem:$0x7] =	sst s26  }
0xa0: {  	s30 =	sld [smem:s26+$0x100]  }
0xa1: {  	(v2sf) =	vpush v2, $0xA;
	_ =	sdelay $0x1  }
0xa2: {  	s23 =	sadd.s32 $0x1, s30  }
0xa3: {  	s31 =	spop (v2sf);
	[smem:s26+$0x100] =	sst s23  }
0xa4: {  	[smem:$0x8] =	sst s31  }
0xa5: {  	s2 =	sld [smem:s31+$0x100]  }
0xa6: {  	(v2sf) =	vpush v2, $0xB;
	_ =	sdelay $0x1  }
0xa7: {  	s23 =	sadd.s32 $0x1, s2  }
0xa8: {  	s25 =	spop (v2sf);
	[smem:s31+$0x100] =	sst s23  }
0xa9: {  	[smem:$0x9] =	sst s25  }
0xaa: {  	s26 =	sld [smem:s25+$0x100]  }
0xab: {  	(v2sf) =	vpush v2, $0xC;
	_ =	sdelay $0x1  }
0xac: {  	s23 =	sadd.s32 $0x1, s26  }
0xad: {  	[smem:s25+$0x100] =	sst s23;
	s30 =	spop (v2sf)  }
0xae: {  	[smem:$0xA] =	sst s30  }
0xaf: {  	s31 =	sld [smem:s30+$0x100]  }
0xb0: {  	(v2sf) =	vpush v2, $0xD;
	_ =	sdelay $0x1  }
0xb1: {  	s23 =	sadd.s32 $0x1, s31  }
0xb2: {  	s2 =	spop (v2sf);
	[smem:s30+$0x100] =	sst s23  }
0xb3: {  	[smem:$0xB] =	sst s2  }
0xb4: {  	s25 =	sld [smem:s2+$0x100]  }
0xb5: {  	(v2sf) =	vpush v2, $0xE;
	_ =	sdelay $0x1  }
0xb6: {  	s23 =	sadd.s32 $0x1, s25  }
0xb7: {  	s26 =	spop (v2sf);
	[smem:s2+$0x100] =	sst s23  }
0xb8: {  	[smem:$0xC] =	sst s26  }
0xb9: {  	s30 =	sld [smem:s26+$0x100]  }
0xba: {  	s25 =	simm.s32 $0x10;
	(v2sf) =	vpush v2, $0xF  }
0xbb: {  	v2 =	vld.idx.msk [tilespmem:v1+s25+$0x0 ss:$0x1], $0xffff  }
0xbc: {  	s23 =	sadd.s32 $0x1, s30  }
0xbd: {  	[smem:s26+$0x100] =	sst s23;
	s31 =	spop (v2sf)  }
0xbe: {  	[smem:$0xD] =	sst s31  }
0xbf: {  	s2 =	sld [smem:s31+$0x100]  }
0xc0: {  	(v2sf) =	vpush v2, $0x0;
	_ =	sdelay $0x1  }
0xc1: {  	s23 =	sadd.s32 $0x1, s2  }
0xc2: {  	s26 =	spop (v2sf);
	[smem:s31+$0x100] =	sst s23  }
0xc3: {  	[smem:$0xE] =	sst s26  }
0xc4: {  	s30 =	sld [smem:s26+$0x100];
	_ =	sdelay $0x1  }
0xc5: {  	(v2sf) =	vpush v2, $0x1  }
0xc6: {  	s23 =	sadd.s32 $0x1, s30  }
0xc7: {  	s0 =	spop (v2sf);
	[smem:s26+$0x100] =	sst s23  }
0xc8: {  	[smem:$0xF] =	sst s0  }
0xc9: {  	s26 =	sld [smem:s0+$0x100];
	_ =	sdelay $0x1  }
0xca: {  	s31 =	sshll.u32 s24, $0x7;
	(v2sf) =	vpush v2, $0x2  }
0xcb: {  	s29 =	simm.s32 $0x80;
	s23 =	sor.u32 $0x10000, s31;
	s28 =	sadd.s32 $0x1, s26  }
.LBB2_5:
0xcc: {  	s30 =	spop (v2sf)  }
0xcd: {  	[smem:s0+$0x100] =	sst s28;
	s28 =	smov.u32 s29;
	s26 =	sadd.s32 $0x40, s29  }
0xce: {  	p1 =	sne.s32 s29, $0x1C0;
	[smem:s25] =	sst s30  }
0xcf: {  	s0 =	sld [smem:s30+$0x100]  }
0xd0: {  	(v2sf) =	vpush v2, $0x3;
	_ =	sdelay $0x1  }
0xd1: {  	s0 =	sadd.s32 $0x1, s0  }
0xd2: {  	[smem:s30+$0x100] =	sst s0;
	s0 =	spop (v2sf)  }
0xd3: {  	[smem:s25+$0x1] =	sst s0  }
0xd4: {  	s29 =	sld [smem:s0+$0x100]  }
0xd5: {  	(v2sf) =	vpush v2, $0x4;
	_ =	sdelay $0x1  }
0xd6: {  	s29 =	sadd.s32 $0x1, s29  }
0xd7: {  	[smem:s0+$0x100] =	sst s29;
	s0 =	spop (v2sf)  }
0xd8: {  	[smem:s25+$0x2] =	sst s0  }
0xd9: {  	s29 =	sld [smem:s0+$0x100]  }
0xda: {  	(v2sf) =	vpush v2, $0x5;
	_ =	sdelay $0x1  }
0xdb: {  	s29 =	sadd.s32 $0x1, s29  }
0xdc: {  	[smem:s0+$0x100] =	sst s29;
	s0 =	spop (v2sf)  }
0xdd: {  	[smem:s25+$0x3] =	sst s0  }
0xde: {  	s29 =	sld [smem:s0+$0x100]  }
0xdf: {  	(v2sf) =	vpush v2, $0x6;
	_ =	sdelay $0x1  }
0xe0: {  	s29 =	sadd.s32 $0x1, s29  }
0xe1: {  	[smem:s0+$0x100] =	sst s29;
	s0 =	spop (v2sf)  }
0xe2: {  	[smem:s25+$0x4] =	sst s0  }
0xe3: {  	s29 =	sld [smem:s0+$0x100]  }
0xe4: {  	(v2sf) =	vpush v2, $0x7;
	_ =	sdelay $0x1  }
0xe5: {  	s29 =	sadd.s32 $0x1, s29  }
0xe6: {  	[smem:s0+$0x100] =	sst s29;
	s0 =	spop (v2sf)  }
0xe7: {  	[smem:s25+$0x5] =	sst s0  }
0xe8: {  	s29 =	sld [smem:s0+$0x100]  }
0xe9: {  	(v2sf) =	vpush v2, $0x8;
	_ =	sdelay $0x1  }
0xea: {  	s29 =	sadd.s32 $0x1, s29  }
0xeb: {  	[smem:s0+$0x100] =	sst s29;
	s0 =	spop (v2sf)  }
0xec: {  	[smem:s25+$0x6] =	sst s0  }
0xed: {  	s29 =	sld [smem:s0+$0x100]  }
0xee: {  	(v2sf) =	vpush v2, $0x9;
	_ =	sdelay $0x1  }
0xef: {  	s29 =	sadd.s32 $0x1, s29  }
0xf0: {  	[smem:s0+$0x100] =	sst s29;
	s0 =	spop (v2sf)  }
0xf1: {  	[smem:s25+$0x7] =	sst s0  }
0xf2: {  	s29 =	sld [smem:s0+$0x100]  }
0xf3: {  	(v2sf) =	vpush v2, $0xA;
	_ =	sdelay $0x1  }
0xf4: {  	s29 =	sadd.s32 $0x1, s29  }
0xf5: {  	[smem:s0+$0x100] =	sst s29;
	s0 =	spop (v2sf)  }
0xf6: {  	[smem:s25+$0x8] =	sst s0  }
0xf7: {  	s29 =	sld [smem:s0+$0x100]  }
0xf8: {  	(v2sf) =	vpush v2, $0xB;
	_ =	sdelay $0x1  }
0xf9: {  	s29 =	sadd.s32 $0x1, s29  }
0xfa: {  	[smem:s0+$0x100] =	sst s29;
	s0 =	spop (v2sf)  }
0xfb: {  	[smem:s25+$0x9] =	sst s0  }
0xfc: {  	s29 =	sld [smem:s0+$0x100]  }
0xfd: {  	(v2sf) =	vpush v2, $0xC;
	_ =	sdelay $0x1  }
0xfe: {  	s29 =	sadd.s32 $0x1, s29  }
0xff: {  	[smem:s0+$0x100] =	sst s29;
	s0 =	spop (v2sf)  }
0x100: {  	[smem:s25+$0xA] =	sst s0  }
0x101: {  	s29 =	sld [smem:s0+$0x100]  }
0x102: {  	(v2sf) =	vpush v2, $0xD;
	_ =	sdelay $0x1  }
0x103: {  	s29 =	sadd.s32 $0x1, s29  }
0x104: {  	[smem:s0+$0x100] =	sst s29;
	s0 =	spop (v2sf)  }
0x105: {  	[smem:s25+$0xB] =	sst s0  }
0x106: {  	s29 =	sld [smem:s0+$0x100]  }
0x107: {  	(v2sf) =	vpush v2, $0xE;
	_ =	sdelay $0x1  }
0x108: {  	s29 =	sadd.s32 $0x1, s29  }
0x109: {  	[smem:s0+$0x100] =	sst s29;
	s0 =	spop (v2sf)  }
0x10a: {  	[smem:s25+$0xC] =	sst s0  }
0x10b: {  	s28 =	sshra.s32 s28, $0x2;
	s29 =	sld [smem:s0+$0x100]  }
0x10c: {  	(v2sf) =	vpush v2, $0xF;
	v2 =	vld.idx.msk [tilespmem:v1+s28+$0x0 ss:$0x1], $0xffff;
	_ =	sdelay $0x1  }
0x10d: {  	s29 =	sadd.s32 $0x1, s29  }
0x10e: {  	[smem:s0+$0x100] =	sst s29;
	s0 =	spop (v2sf)  }
0x10f: {  	[smem:s25+$0xD] =	sst s0  }
0x110: {  	s29 =	sld [smem:s0+$0x100]  }
0x111: {  	(v2sf) =	vpush v2, $0x0;
	_ =	sdelay $0x1  }
0x112: {  	s29 =	sadd.s32 $0x1, s29  }
0x113: {  	[smem:s0+$0x100] =	sst s29;
	s0 =	spop (v2sf)  }
0x114: {  	[smem:s25+$0xE] =	sst s0  }
0x115: {  	s29 =	sld [smem:s0+$0x100]  }
0x116: {  	(v2sf) =	vpush v2, $0x1;
	_ =	sdelay $0x1  }
0x117: {  	s29 =	sadd.s32 $0x1, s29  }
0x118: {  	[smem:s0+$0x100] =	sst s29;
	s0 =	spop (v2sf)  }
.Ltmp5:
0x119: {  	[smem:s25+$0xF] =	sst s0;
	s25 =	smov.u32 s28;
	(pc) =	sbr.rel @p1 .LBB2_5-.Ltmp5, $3  }
0x11a: {  	s28 =	sld [smem:s0+$0x100]  }
0x11b: {  	(v2sf) =	vpush v2, $0x2;
	_ =	sdelay $0x1  }
0x11c: {  	s29 =	smov.u32 s26;
	s28 =	sadd.s32 $0x1, s28  }
0x11d: {  	s26 =	spop (v2sf);
	[smem:s0+$0x100] =	sst s28  }
0x11e: {  	[smem:s25] =	sst s26  }
0x11f: {  	s0 =	sld [smem:s26+$0x100]  }
0x120: {  	(v2sf) =	vpush v2, $0x3;
	_ =	sdelay $0x1  }
0x121: {  	s0 =	sadd.s32 $0x1, s0  }
0x122: {  	[smem:s26+$0x100] =	sst s0;
	s31 =	spop (v2sf)  }
0x123: {  	[smem:s25+$0x1] =	sst s31  }
0x124: {  	s26 =	sld [smem:s31+$0x100]  }
0x125: {  	(v2sf) =	vpush v2, $0x4;
	_ =	sdelay $0x1  }
0x126: {  	s26 =	sadd.s32 $0x1, s26  }
0x127: {  	[smem:s31+$0x100] =	sst s26;
	s2 =	spop (v2sf)  }
0x128: {  	[smem:s25+$0x2] =	sst s2  }
0x129: {  	s26 =	sld [smem:s2+$0x100]  }
0x12a: {  	(v2sf) =	vpush v2, $0x5;
	_ =	sdelay $0x1  }
0x12b: {  	s26 =	sadd.s32 $0x1, s26  }
0x12c: {  	s29 =	spop (v2sf);
	[smem:s2+$0x100] =	sst s26  }
0x12d: {  	[smem:s25+$0x3] =	sst s29  }
0x12e: {  	s26 =	sld [smem:s29+$0x100]  }
0x12f: {  	(v2sf) =	vpush v2, $0x6;
	_ =	sdelay $0x1  }
0x130: {  	s26 =	sadd.s32 $0x1, s26  }
0x131: {  	s30 =	spop (v2sf);
	[smem:s29+$0x100] =	sst s26  }
0x132: {  	[smem:s25+$0x4] =	sst s30  }
0x133: {  	s26 =	sld [smem:s30+$0x100]  }
0x134: {  	(v2sf) =	vpush v2, $0x7;
	_ =	sdelay $0x1  }
0x135: {  	s26 =	sadd.s32 $0x1, s26  }
0x136: {  	s31 =	spop (v2sf);
	[smem:s30+$0x100] =	sst s26  }
0x137: {  	[smem:s25+$0x5] =	sst s31  }
0x138: {  	s26 =	sld [smem:s31+$0x100]  }
0x139: {  	(v2sf) =	vpush v2, $0x8;
	_ =	sdelay $0x1  }
0x13a: {  	s26 =	sadd.s32 $0x1, s26  }
0x13b: {  	s2 =	spop (v2sf);
	[smem:s31+$0x100] =	sst s26  }
0x13c: {  	[smem:s25+$0x6] =	sst s2  }
0x13d: {  	s26 =	sld [smem:s2+$0x100]  }
0x13e: {  	(v2sf) =	vpush v2, $0x9;
	_ =	sdelay $0x1  }
0x13f: {  	s26 =	sadd.s32 $0x1, s26  }
0x140: {  	s29 =	spop (v2sf);
	[smem:s2+$0x100] =	sst s26  }
0x141: {  	[smem:s25+$0x7] =	sst s29  }
0x142: {  	s26 =	sld [smem:s29+$0x100]  }
0x143: {  	(v2sf) =	vpush v2, $0xA;
	_ =	sdelay $0x1  }
0x144: {  	s26 =	sadd.s32 $0x1, s26  }
0x145: {  	s30 =	spop (v2sf);
	[smem:s29+$0x100] =	sst s26  }
0x146: {  	[smem:s25+$0x8] =	sst s30  }
0x147: {  	s26 =	sld [smem:s30+$0x100]  }
0x148: {  	(v2sf) =	vpush v2, $0xB;
	_ =	sdelay $0x1  }
0x149: {  	s26 =	sadd.s32 $0x1, s26  }
0x14a: {  	s31 =	spop (v2sf);
	[smem:s30+$0x100] =	sst s26  }
0x14b: {  	[smem:s25+$0x9] =	sst s31  }
0x14c: {  	s26 =	sld [smem:s31+$0x100]  }
0x14d: {  	(v2sf) =	vpush v2, $0xC;
	_ =	sdelay $0x1  }
0x14e: {  	s26 =	sadd.s32 $0x1, s26  }
0x14f: {  	s2 =	spop (v2sf);
	[smem:s31+$0x100] =	sst s26  }
0x150: {  	[smem:s25+$0xA] =	sst s2  }
0x151: {  	s26 =	sld [smem:s2+$0x100]  }
0x152: {  	(v2sf) =	vpush v2, $0xD;
	_ =	sdelay $0x1  }
0x153: {  	s26 =	sadd.s32 $0x1, s26  }
0x154: {  	s29 =	spop (v2sf);
	[smem:s2+$0x100] =	sst s26  }
0x155: {  	[smem:s25+$0xB] =	sst s29  }
0x156: {  	s26 =	sld [smem:s29+$0x100]  }
0x157: {  	(v2sf) =	vpush v2, $0xE;
	_ =	sdelay $0x1  }
0x158: {  	s26 =	sadd.s32 $0x1, s26  }
0x159: {  	s30 =	spop (v2sf);
	[smem:s29+$0x100] =	sst s26  }
0x15a: {  	[smem:s25+$0xC] =	sst s30  }
0x15b: {  	s26 =	sld [smem:s30+$0x100]  }
0x15c: {  	(v2sf) =	vpush v2, $0xF;
	_ =	sdelay $0x1  }
0x15d: {  	s26 =	sadd.s32 $0x1, s26  }
0x15e: {  	s31 =	spop (v2sf);
	[smem:s30+$0x100] =	sst s26  }
0x15f: {  	[smem:s25+$0xD] =	sst s31  }
0x160: {  	s26 =	sld [smem:s31+$0x100];
	_ =	sdelay $0x2  }
0x161: {  	s26 =	sadd.s32 $0x1, s26  }
0x162: {  	s2 =	spop (v2sf);
	[smem:s31+$0x100] =	sst s26  }
0x163: {  	[smem:s25+$0xE] =	sst s2  }
0x164: {  	s26 =	sld [smem:s2+$0x100];
	_ =	sdelay $0x2  }
0x165: {  	s26 =	sadd.s32 $0x1, s26  }
0x166: {  	s29 =	spop (v2sf);
	[smem:s2+$0x100] =	sst s26  }
0x167: {  	[smem:s25+$0xF] =	sst s29  }
0x168: {  	s25 =	sld [smem:s29+$0x100];
	_ =	sdelay $0x2  }
0x169: {  	s25 =	sadd.s32 $0x1, s25  }
0x16a: {  	s0 =	simm.s32 $0x0;
	[smem:s29+$0x100] =	sst s25  }
0x16b: {  	[smem:$0x180] =	sst s0  }
0x16c: {  	[smem:$0x200] =	sst s0  }
0x16d: {  	s25 =	sld [smem:$0x100];
	_ =	sdelay $0x2  }
0x16e: {  	[smem:$0x181] =	sst s25  }
0x16f: {  	[smem:$0x201] =	sst s25  }
0x170: {  	s26 =	sld [smem:$0x101];
	_ =	sdelay $0x2  }
0x171: {  	s25 =	sadd.s32 s25, s26  }
0x172: {  	[smem:$0x182] =	sst s25  }
0x173: {  	[smem:$0x202] =	sst s25  }
0x174: {  	s30 =	sld [smem:$0x102];
	_ =	sdelay $0x2  }
0x175: {  	s25 =	sadd.s32 s25, s30  }
0x176: {  	[smem:$0x183] =	sst s25  }
0x177: {  	[smem:$0x203] =	sst s25  }
0x178: {  	s31 =	sld [smem:$0x103];
	_ =	sdelay $0x2  }
0x179: {  	s25 =	sadd.s32 s25, s31  }
0x17a: {  	[smem:$0x184] =	sst s25  }
0x17b: {  	[smem:$0x204] =	sst s25  }
0x17c: {  	s2 =	sld [smem:$0x104];
	_ =	sdelay $0x2  }
0x17d: {  	s25 =	sadd.s32 s25, s2  }
0x17e: {  	[smem:$0x185] =	sst s25  }
0x17f: {  	[smem:$0x205] =	sst s25  }
0x180: {  	s29 =	sld [smem:$0x105];
	_ =	sdelay $0x2  }
0x181: {  	s25 =	sadd.s32 s25, s29  }
0x182: {  	[smem:$0x186] =	sst s25  }
0x183: {  	[smem:$0x206] =	sst s25  }
0x184: {  	s30 =	sld [smem:$0x106];
	_ =	sdelay $0x2  }
0x185: {  	s25 =	sadd.s32 s25, s30  }
0x186: {  	[smem:$0x187] =	sst s25  }
0x187: {  	[smem:$0x207] =	sst s25  }
0x188: {  	s31 =	sld [smem:$0x107];
	_ =	sdelay $0x2  }
0x189: {  	s25 =	sadd.s32 s25, s31  }
0x18a: {  	[smem:$0x188] =	sst s25  }
0x18b: {  	[smem:$0x208] =	sst s25  }
0x18c: {  	s2 =	sld [smem:$0x108];
	_ =	sdelay $0x2  }
0x18d: {  	s25 =	sadd.s32 s25, s2  }
0x18e: {  	[smem:$0x189] =	sst s25  }
0x18f: {  	[smem:$0x209] =	sst s25  }
0x190: {  	s29 =	sld [smem:$0x109];
	_ =	sdelay $0x2  }
0x191: {  	s25 =	sadd.s32 s25, s29  }
0x192: {  	[smem:$0x18A] =	sst s25  }
0x193: {  	[smem:$0x20A] =	sst s25  }
0x194: {  	s30 =	sld [smem:$0x10A];
	_ =	sdelay $0x2  }
0x195: {  	s25 =	sadd.s32 s25, s30  }
0x196: {  	[smem:$0x18B] =	sst s25  }
0x197: {  	[smem:$0x20B] =	sst s25  }
0x198: {  	s31 =	sld [smem:$0x10B];
	_ =	sdelay $0x2  }
0x199: {  	s25 =	sadd.s32 s25, s31  }
0x19a: {  	[smem:$0x18C] =	sst s25  }
0x19b: {  	[smem:$0x20C] =	sst s25  }
0x19c: {  	s28 =	simm.s32 $0x0;
	s26 =	simm.s32 $0x1;
	s25 =	sld [smem:$0x0]  }
.LBB2_7:
0x19d: {  	p1 =	sne.s32 s26, $0x7F;
	_ =	sdelay $0x1  }
0x19e: {  	s29 =	sld [smem:s25+$0x200]  }
.Ltmp6:
0x19f: {  	(pc) =	sbr.rel @p1 .LBB2_7-.Ltmp6, $4  }
0x1a0: {  	_ = 	snop  }
0x1a1: {  	[smem:s29+$0x80] =	sst s0;
	s29 =	sadd.s32 $0x1, s29;
	s0 =	smov.u32 s26  }
0x1a2: {  	s28 =	sadd.s32 $0x1, s28;
	[smem:s25+$0x200] =	sst s29  }
0x1a3: {  	s26 =	sadd.s32 $0x1, s26;
	s25 =	sld [smem:s28+$0x0]  }
0x1a4: {  	_ =	sdelay $0x1  }
0x1a5: {  	s26 =	sld [smem:s25+$0x200];
	_ =	sdelay $0x2  }
.Ltmp7:
0x1a6: {  	[smem:s26+$0x80] =	sst s0;
	s31 =	sadd.s32 $0x1, s26;
	(pc) =	sbr.rel .LBB2_9-.Ltmp7, $4  }
0x1a7: {  	[smem:s25+$0x200] =	sst s31;
	s25 =	sadd.s32 $0x1, s24  }
0x1a8: {  	_ =	swait.ge [sflag:s25], $0x8000  }
0x1a9: {  	[sflag:s25] =	ssyncset.done $0x0  }
0x1aa: {  	s26 =	simm.s32 $0x0;
	s24 =	sshll.u32 s24, $0xF;
	[sflag:s25] =	ssyncadd.s32 $0xFFFF8000  }
.LBB2_10:
0x1ab: {  	v12 =	vimm.f32 $0.0e+00;
	v9 =	vimm.f32 $0.0e+00  }
0x1ac: {  	v17 =	vimm.f32 $0.0e+00;
	v5 =	vimm.f32 $0.0e+00;
	v11 =	vimm.f32 $0.0e+00  }
0x1ad: {  	v10 =	vimm.f32 $0.0e+00;
	v16 =	vimm.f32 $0.0e+00;
	v7 =	vimm.f32 $0.0e+00  }
0x1ae: {  	v13 =	vimm.f32 $0.0e+00;
	v15 =	vimm.f32 $0.0e+00;
	v8 =	vimm.f32 $0.0e+00  }
0x1af: {  	v6 =	vimm.f32 $0.0e+00;
	v14 =	vimm.f32 $0.0e+00;
	v2 =	vimm.f32 $0.0e+00  }
0x1b0: {  	v4 =	vimm.f32 $0.0e+00;
	v3 =	vimm.f32 $0.0e+00;
	v1 =	vimm.f32 $0.0e+00  }
.LBB2_17:
0x1b1: {  	s0 =	sshll.u32 s26, $0x8;
	s2 =	sshll.u32 s26, $0x7  }
0x1b2: {  	s0 =	sand.u32 $0x800, s0;
	s29 =	sand.u32 $0x380, s2  }
0x1b3: {  	s0 =	sor.u32 s29, s0  }
0x1b4: {  	v18 =	vld [tilespmem:s0+$0x10100];
	s29 =	sadd.s32 $0x10100, s0  }
0x1b5: {  	v20 =	vld [tilespmem:s29+$0x40]  }
0x1b6: {  	v21 =	vld [tilespmem:s29+$0x50]  }
0x1b7: {  	v48 =	vld [tilespmem:s29+$0x60]  }
0x1b8: {  	v49 =	vld [tilespmem:s29+$0x70]  }
0x1b9: {  	v51 =	vld [tilespmem:s29+$0x410];
	v12 =	vadd.f32 v18, v12  }
0x1ba: {  	v53 =	vld [tilespmem:s29+$0x420];
	v11 =	vadd.f32 v20, v11  }
0x1bb: {  	v55 =	vld [tilespmem:s29+$0x430];
	v52 =	vadd.f32 v21, v10;
	[tilespmem:s0+$0x10100] =	vst v12  }
0x1bc: {  	v57 =	vld [tilespmem:s29+$0x440];
	v54 =	vadd.f32 v48, v16;
	[tilespmem:s29+$0x40] =	vst v11  }
0x1bd: {  	v58 =	vld [tilespmem:s29+$0x450];
	v56 =	vadd.f32 v49, v7;
	[tilespmem:s29+$0x50] =	vst v52  }
0x1be: {  	v60 =	vld [tilespmem:s29+$0x460];
	v59 =	vadd.f32 v51, v15;
	[tilespmem:s29+$0x60] =	vst v54  }
0x1bf: {  	v61 =	vld [tilespmem:s29+$0x470];
	v8 =	vadd.f32 v53, v8;
	[tilespmem:s29+$0x70] =	vst v56  }
0x1c0: {  	v62 =	vadd.f32 v55, v6;
	v12 =	vld [tilespmem:s29+$0x10];
	[tilespmem:s29+$0x410] =	vst v59  }
0x1c1: {  	v63 =	vadd.f32 v57, v14;
	v47 =	vld [tilespmem:s29+$0x20];
	[tilespmem:s29+$0x420] =	vst v8  }
0x1c2: {  	v2 =	vadd.f32 v58, v2;
	v19 =	vld [tilespmem:s29+$0x30];
	[tilespmem:s29+$0x430] =	vst v62  }
0x1c3: {  	v50 =	vld [tilespmem:s29+$0x400];
	v4 =	vadd.f32 v60, v4;
	[tilespmem:s29+$0x440] =	vst v63  }
0x1c4: {  	[tilespmem:s29+$0x450] =	vst v2;
	v2 =	vadd.f32 v61, v3  }
0x1c5: {  	[tilespmem:s29+$0x460] =	vst v4;
	v9 =	vadd.f32 v12, v9  }
0x1c6: {  	[tilespmem:s29+$0x470] =	vst v2;
	v17 =	vadd.f32 v47, v17  }
0x1c7: {  	v5 =	vadd.f32 v19, v5;
	[tilespmem:s29+$0x10] =	vst v9  }
0x1c8: {  	[tilespmem:s29+$0x20] =	vst v17;
	v9 =	vadd.f32 v50, v13  }
0x1c9: {  	[tilespmem:s29+$0x30] =	vst v5  }
0x1ca: {  	[tilespmem:s29+$0x400] =	vst v9  }
0x1cb: {  	v2 =	vld [tilespmem:s2+$0x11100]  }
0x1cc: {  	v3 =	vld [tilespmem:s2+$0x11110]  }
0x1cd: {  	s26 =	sadd.s32 $0x1, s26  }
0x1ce: {  	p1 =	sne.s32 s26, $0xD  }
.Ltmp8:
0x1cf: {  	s31 =	scvt.s32.f32 s28;
	(pc) =	sbr.rel @!p1 .LBB2_18-.Ltmp8, $4  }
0x1d0: {  	v1 =	vadd.f32 v2, v1  }
0x1d1: {  	v2 =	vadd.f32 s31, v3  }
0x1d2: {  	[tilespmem:s2+$0x11100] =	vst v1  }
0x1d3: {  	[tilespmem:s2+$0x11110] =	vst v2  }
.LBB2_9:
0x1d4: {  	s28 =	sld [smem:s26+$0x100];
	_ =	sdelay $0x2  }
0x1d5: {  	p1 =	slt.s32 s28, $0x1  }
.Ltmp9:
0x1d6: {  	_ = 	snop;
	(pc) =	sbr.rel @p1 .LBB2_10-.Ltmp9, $1  }
0x1d7: {  	_ =	sdelay $0x3  }
0x1d8: {  	p2 =	sne.s32 s28, $0x1  }
.Ltmp10:
0x1d9: {  	s0 =	sld [smem:s26+$0x180];
	(pc) =	sbr.rel @!p2 .LBB2_12-.Ltmp10, $3  }
0x1da: {  	_ =	sdelay $0x1  }
0x1db: {  	s30 =	sadd.s32 $0x80, s0  }
0x1dc: {  	v1 =	vimm.f32 $0.0e+00;
	s31 =	sadd.s32 $0xFFFFFFFF, s28;
	p1 =	por $0x0, $0x0;
	s0 =	sld [smem:s30+$0x0]  }
0x1dd: {  	_ =	sdelay $0x1  }
0x1de: {  	s29 =	sshll.u32 s0, $0x8  }
0x1df: {  	s2 =	sshll.u32 s0, $0x7;
	s29 =	sand.u32 $0xFFFFF800, s29  }
0x1e0: {  	s0 =	sand.u32 $0x380, s2;
	s29 =	sadd.s32 s29, s24  }
0x1e1: {  	s29 =	sadd.s32 s0, s29  }
0x1e2: {  	v3 =	vld [tilespmem:s29+$0x460]  }
0x1e3: {  	v9 =	vld [tilespmem:s29+$0x470]  }
0x1e4: {  	v7 =	vld [tilespmem:s29+$0x450]  }
0x1e5: {  	v8 =	vld [tilespmem:s29+$0x30]  }
0x1e6: {  	v21 =	vld [tilespmem:s29+$0x40]  }
0x1e7: {  	v10 =	vimm.f32 $0.0e+00;
	v24 =	vld [tilespmem:s29+$0x430]  }
0x1e8: {  	v13 =	vimm.f32 $0.0e+00;
	v11 =	vimm.f32 $0.0e+00;
	v14 =	vimm.f32 $0.0e+00;
	v16 =	vld [tilespmem:s29+$0x410]  }
0x1e9: {  	v12 =	vimm.f32 $0.0e+00;
	v33 =	vimm.f32 $0.0e+00;
	v15 =	vimm.f32 $0.0e+00;
	p2 =	sne.s32 s31, $0x1;
	v27 =	vld [tilespmem:s29+$0x70]  }
.Ltmp11:
0x1ea: {  	v26 =	vimm.f32 $0.0e+00;
	v17 =	vimm.f32 $0.0e+00;
	v28 =	vimm.f32 $0.0e+00;
	v35 =	vld [tilespmem:s29+$0x10];
	(pc) =	sbr.rel @!p2 .LBB2_14-.Ltmp11, $4  }
0x1eb: {  	v20 =	vimm.f32 $0.0e+00;
	v29 =	vimm.f32 $0.0e+00;
	v19 =	vimm.f32 $0.0e+00;
	v36 =	vld [tilespmem:s29+$0x0]  }
0x1ec: {  	s30 =	sadd.s32 $0x1, s30;
	v22 =	vimm.f32 $0.0e+00;
	v18 =	vimm.f32 $0.0e+00;
	v34 =	vld [tilespmem:s29+$0x50];
	v4 =	vadd.f32 v3, v1  }
0x1ed: {  	v23 =	vimm.f32 $0.0e+00;
	s0 =	sld [smem:s30+$0x0];
	v31 =	vld [tilespmem:s29+$0x420];
	v2 =	vadd.f32 v7, v1;
	v6 =	vadd.f32 v9, v1  }
0x1ee: {  	s31 =	sadd.s32 $0xFFFFFFFF, s31;
	p1 =	por $0x1, $0x1;
	v5 =	vadd.f32 v8, v1;
	v32 =	vmul.f32 v8, v8;
	v30 =	vmul.f32 v21, v21;
	v8 =	vld [tilespmem:s29+$0x20];
	v25 =	vmovc v16  }
.LBB2_15:
0x1ef: {  	p2 =	sne.s32 s31, $0x1;
	s31 =	sadd.s32 $0xFFFFFFFF, s31;
	v37 =	vld [tilespmem:s29+$0x400];
	v10 =	vadd.f32 v24, v10;
	v38 =	vmul.f32 v24, v24  }
0x1f0: {  	v11 =	vadd.f32 v27, v11;
	s2 =	sshll.u32 s0, $0x8;
	s0 =	sshll.u32 s0, $0x7;
	v39 =	vld [tilespmem:s29+$0x440];
	v13 =	vadd.f32 v35, v13;
	v24 =	vmul.f32 v35, v35  }
0x1f1: {  	v27 =	vmul.f32 v27, v27;
	s2 =	sand.u32 $0xFFFFF800, s2;
	v14 =	vadd.f32 v36, v14;
	v35 =	vmul.f32 v36, v36  }
0x1f2: {  	s0 =	sand.u32 $0x380, s0;
	s2 =	sadd.s32 s2, s24;
	v12 =	vadd.f32 v34, v12;
	v33 =	vadd.f32 v24, v33;
	v34 =	vmul.f32 v34, v34  }
0x1f3: {  	v36 =	vld [tilespmem:s29+$0x60];
	s29 =	sadd.s32 s0, s2;
	v15 =	vadd.f32 v31, v15;
	v26 =	vadd.f32 v35, v26;
	v31 =	vmul.f32 v31, v31  }
0x1f4: {  	v17 =	vadd.f32 v21, v17;
	v21 =	vadd.f32 v32, v28;
	v28 =	vmul.f32 v25, v16;
	v35 =	vld [tilespmem:s29+$0x460]  }
0x1f5: {  	v32 =	vmul.f32 v8, v8;
	v24 =	vld [tilespmem:s29+$0x430];
	v26 =	vadd.f32 v30, v26;
	v30 =	vmul.f32 v37, v37  }
0x1f6: {  	v20 =	vadd.f32 v37, v20;
	v37 =	vadd.f32 v27, v21;
	v25 =	vld [tilespmem:s29+$0x410]  }
0x1f7: {  	v29 =	vadd.f32 v32, v29;
	v27 =	vmul.f32 v39, v39;
	v40 =	vld [tilespmem:s29+$0x470];
	v26 =	vadd.f32 v30, v26  }
0x1f8: {  	v22 =	vadd.f32 v16, v22;
	v30 =	vld [tilespmem:s29+$0x450];
	v19 =	vadd.f32 v36, v19;
	v16 =	vmul.f32 v36, v36  }
0x1f9: {  	v9 =	vmul.f32 v9, v9;
	v32 =	vadd.f32 v34, v33;
	v21 =	vld [tilespmem:s29+$0x40];
	v26 =	vadd.f32 v27, v26  }
0x1fa: {  	v33 =	vadd.f32 v38, v37;
	v4 =	vadd.f32 v35, v4;
	v27 =	vld [tilespmem:s29+$0x70]  }
0x1fb: {  	v32 =	vadd.f32 v28, v32;
	v38 =	vmul.f32 v3, v3;
	v3 =	vmovc v35;
	v29 =	vadd.f32 v16, v29;
	v37 =	vld [tilespmem:s29+$0x30]  }
.Ltmp12:
0x1fc: {  	v18 =	vadd.f32 v8, v18;
	v34 =	vmul.f32 v7, v7;
	v28 =	vadd.f32 v9, v33;
	v8 =	vld [tilespmem:s29+$0x20];
	v16 =	vmovc v25;
	(pc) =	sbr.rel @p2 .LBB2_15-.Ltmp12, $4  }
0x1fd: {  	v29 =	vadd.f32 v31, v29;
	v9 =	vmovc v40;
	v35 =	vld [tilespmem:s29+$0x10];
	v2 =	vadd.f32 v30, v2;
	v7 =	vmov v30  }
0x1fe: {  	s30 =	sadd.s32 $0x1, s30;
	v23 =	vadd.f32 v39, v23;
	v33 =	vadd.f32 v34, v32;
	v36 =	vld [tilespmem:s29+$0x0]  }
0x1ff: {  	v6 =	vadd.f32 v9, v6;
	v29 =	vadd.f32 v38, v29;
	s0 =	sld [smem:s30+$0x0];
	v34 =	vld [tilespmem:s29+$0x50]  }
0x200: {  	v30 =	vmul.f32 v21, v21;
	v31 =	vld [tilespmem:s29+$0x420];
	v5 =	vadd.f32 v37, v5;
	v32 =	vmul.f32 v37, v37  }
.LBB2_16:
0x201: {  	v10 =	vadd.f32 @p1 v24, v10;
	v11 =	vadd.f32 @p1 v27, v11;
	v24 =	vmul.f32 @p1 v24, v24  }
0x202: {  	v27 =	vmul.f32 @p1 v27, v27;
	v17 =	vadd.f32 @p1 v21, v17;
	v22 =	vadd.f32 @p1 v16, v22  }
0x203: {  	v16 =	vmul.f32 @p1 v25, v16;
	v9 =	vmul.f32 @p1 v9, v9;
	v18 =	vadd.f32 @p1 v8, v18;
	s2 =	sshll.u32 s0, $0x8  }
0x204: {  	v37 =	vld @p1 [tilespmem:s29+$0x400];
	v7 =	vmul.f32 @p1 v7, v7;
	v13 =	vadd.f32 @p1 v35, v13;
	v35 =	vmul.f32 @p1 v35, v35;
	s31 =	sshll.u32 s0, $0x7;
	s2 =	sand.u32 $0xFFFFF800, s2  }
0x205: {  	v38 =	vld @p1 [tilespmem:s29+$0x440];
	v21 =	vadd.f32 @p1 v32, v28;
	v14 =	vadd.f32 @p1 v36, v14;
	v36 =	vmul.f32 @p1 v36, v36;
	s0 =	sand.u32 $0x380, s31;
	s2 =	sadd.s32 s2, s24  }
0x206: {  	v28 =	vmul.f32 @p1 v8, v8;
	v10 =	vpsel p1, v10, v1;
	v33 =	vadd.f32 @p1 v35, v33;
	v35 =	vld @p1 [tilespmem:s29+$0x60];
	s0 =	sadd.s32 s0, s2  }
0x207: {  	v11 =	vpsel p1, v11, v1;
	v17 =	vpsel p1, v17, v1;
	v26 =	vadd.f32 @p1 v36, v26;
	v36 =	vld [tilespmem:s0+$0x460]  }
0x208: {  	v22 =	vpsel p1, v22, v1;
	v21 =	vadd.f32 @p1 v27, v21;
	v27 =	vadd.f32 @p1 v28, v29;
	v29 =	vld [tilespmem:s0+$0x450]  }
0x209: {  	v12 =	vadd.f32 @p1 v34, v12;
	v32 =	vmul.f32 @p1 v34, v34;
	v13 =	vpsel p1, v13, v1;
	v25 =	vld [tilespmem:s0+$0x470]  }
0x20a: {  	v15 =	vadd.f32 @p1 v31, v15;
	v14 =	vpsel p1, v14, v1;
	v20 =	vadd.f32 @p1 v37, v20;
	v59 =	vld [tilespmem:s0+$0x30]  }
0x20b: {  	v32 =	vadd.f32 @p1 v32, v33;
	v60 =	vld [tilespmem:s0+$0x40];
	v26 =	vadd.f32 @p1 v30, v26;
	v30 =	vmul.f32 @p1 v37, v37  }
0x20c: {  	v28 =	vmul.f32 @p1 v38, v38;
	v21 =	vadd.f32 @p1 v24, v21;
	v23 =	vadd.f32 @p1 v38, v23;
	v61 =	vld [tilespmem:s0+$0x70]  }
0x20d: {  	v63 =	vld [tilespmem:s0+$0x0];
	v46 =	vpsel p1, v12, v1;
	v16 =	vadd.f32 @p1 v16, v32;
	v26 =	vadd.f32 @p1 v30, v26  }
0x20e: {  	v45 =	vld [tilespmem:s0+$0x50];
	v8 =	vadd.f32 @p1 v9, v21;
	v19 =	vadd.f32 @p1 v35, v19;
	v30 =	vmul.f32 @p1 v35, v35  }
0x20f: {  	v15 =	vpsel p1, v15, v1;
	v9 =	vld [tilespmem:s0+$0x430];
	v7 =	vadd.f32 @p1 v7, v16;
	v26 =	vadd.f32 @p1 v28, v26  }
0x210: {  	v16 =	vld [tilespmem:s0+$0x10];
	v4 =	vadd.f32 v36, v4;
	v27 =	vadd.f32 @p1 v30, v27;
	v28 =	vmul.f32 @p1 v31, v31  }
0x211: {  	v47 =	vld [tilespmem:s0+$0x20];
	v21 =	vmul.f32 @p1 v3, v3;
	v2 =	vadd.f32 v29, v2;
	v3 =	vadd.f32 v25, v6  }
0x212: {  	v39 =	vld [tilespmem:s0+$0x400];
	v50 =	vpsel p1, v8, v1;
	v5 =	vadd.f32 v59, v5;
	v27 =	vadd.f32 @p1 v28, v27  }
0x213: {  	v41 =	vld [tilespmem:s0+$0x410];
	v62 =	vmul.f32 v59, v59;
	v44 =	vmul.f32 v60, v60;
	v48 =	vpsel p1, v7, v1  }
0x214: {  	v49 =	vld [tilespmem:s0+$0x420];
	v7 =	vadd.f32 v61, v11;
	v11 =	vmul.f32 v63, v63;
	v6 =	vadd.f32 @p1 v21, v27  }
0x215: {  	v12 =	vadd.f32 v63, v14;
	v40 =	vmul.f32 v9, v9;
	v8 =	vmul.f32 v16, v16  }
0x216: {  	v51 =	vpsel p1, v6, v1;
	v6 =	vadd.f32 v9, v10;
	v9 =	vadd.f32 v16, v13;
	v16 =	vld [tilespmem:s0+$0x60]  }
0x217: {  	v53 =	vmul.f32 v45, v45;
	v54 =	vmul.f32 v39, v39;
	v26 =	vpsel p1, v26, v1  }
0x218: {  	v56 =	vmul.f32 v41, v41;
	v25 =	vmul.f32 v25, v25;
	v26 =	vadd.f32 v11, v26  }
0x219: {  	v14 =	vld [tilespmem:s0+$0x440];
	v52 =	vadd.f32 v8, v48;
	v8 =	vadd.f32 v49, v15;
	v15 =	vmul.f32 v47, v47  }
0x21a: {  	v11 =	vadd.f32 v60, v17;
	v21 =	vadd.f32 v62, v50;
	v13 =	vmul.f32 v61, v61  }
0x21b: {  	v26 =	vadd.f32 v44, v26;
	v15 =	vadd.f32 v15, v51;
	v55 =	vmul.f32 v16, v16  }
0x21c: {  	v17 =	vmul.f32 v49, v49;
	v10 =	vadd.f32 v45, v46;
	v13 =	vadd.f32 v13, v21  }
0x21d: {  	v60 =	vmul.f32 v36, v36;
	v57 =	vadd.f32 v53, v52;
	v15 =	vadd.f32 v55, v15  }
0x21e: {  	v59 =	vmul.f32 v14, v14;
	v58 =	vadd.f32 v54, v26;
	v13 =	vadd.f32 v40, v13  }
0x21f: {  	v61 =	vmul.f32 v29, v29;
	v21 =	vadd.f32 v56, v57;
	v15 =	vadd.f32 v17, v15  }
0x220: {  	v19 =	vpsel p1, v19, v1;
	v62 =	vadd.f32 v59, v58;
	v63 =	vadd.f32 v25, v13  }
.Ltmp13:
0x221: {  	v21 =	vadd.f32 v61, v21;
	v17 =	vpsel p1, v20, v1;
	v15 =	vadd.f32 v60, v15;
	(pc) =	sbr.rel .LBB2_17-.Ltmp13, $4  }
0x222: {  	v16 =	vadd.f32 v16, v19;
	v13 =	vadd.f32 v39, v17;
	v17 =	vpsel p1, v18, v1  }
0x223: {  	v18 =	vadd.f32 v21, v62;
	v1 =	vpsel p1, v23, v1;
	v19 =	vadd.f32 v63, v15  }
0x224: {  	v17 =	vadd.f32 v47, v17;
	v14 =	vadd.f32 v14, v1  }
0x225: {  	v15 =	vadd.f32 v41, v22;
	v1 =	vadd.f32 v19, v18  }
.LBB2_12:
0x226: {  	v10 =	vimm.f32 $0.0e+00;
	v13 =	vimm.f32 $0.0e+00  }
0x227: {  	v11 =	vimm.f32 $0.0e+00;
	v14 =	vimm.f32 $0.0e+00;
	v12 =	vimm.f32 $0.0e+00  }
.Ltmp14:
0x228: {  	v33 =	vimm.f32 $0.0e+00;
	v15 =	vimm.f32 $0.0e+00;
	v26 =	vimm.f32 $0.0e+00;
	(pc) =	sbr.rel .LBB2_16-.Ltmp14, $4  }
0x229: {  	v17 =	vimm.f32 $0.0e+00;
	v28 =	vimm.f32 $0.0e+00;
	v20 =	vimm.f32 $0.0e+00  }
0x22a: {  	v29 =	vimm.f32 $0.0e+00;
	v19 =	vimm.f32 $0.0e+00;
	v22 =	vimm.f32 $0.0e+00  }
0x22b: {  	v4 =	vimm.f32 $0.0e+00;
	v18 =	vimm.f32 $0.0e+00;
	v2 =	vimm.f32 $0.0e+00  }
0x22c: {  	v23 =	vimm.f32 $0.0e+00;
	v6 =	vimm.f32 $0.0e+00;
	v5 =	vimm.f32 $0.0e+00  }
.LBB2_14:
0x22d: {  	v10 =	vimm.f32 $0.0e+00  }
.Ltmp15:
0x22e: {  	v13 =	vimm.f32 $0.0e+00;
	v11 =	vimm.f32 $0.0e+00;
	v14 =	vimm.f32 $0.0e+00;
	(pc) =	sbr.rel .LBB2_16-.Ltmp15, $4  }
0x22f: {  	v12 =	vimm.f32 $0.0e+00;
	v33 =	vimm.f32 $0.0e+00;
	v15 =	vimm.f32 $0.0e+00  }
0x230: {  	v26 =	vimm.f32 $0.0e+00;
	v17 =	vimm.f32 $0.0e+00;
	v28 =	vimm.f32 $0.0e+00  }
0x231: {  	v20 =	vimm.f32 $0.0e+00;
	v29 =	vimm.f32 $0.0e+00;
	v19 =	vimm.f32 $0.0e+00  }
0x232: {  	v25 =	vmovc v16;
	v22 =	vimm.f32 $0.0e+00;
	v18 =	vimm.f32 $0.0e+00;
	v23 =	vimm.f32 $0.0e+00  }
.LBB2_20:
0x233: {  	_ =	sfence.sel $0x180000  }
0x234: {  	[bflag:$0x0] =	sbarrier.arrive $0xFFFF  }
0x235: {  	_ =	strace $0x90000047  }
0x236: {  	s0 =	stileid.u32;
	[bflag:$0x2] =	sbarrier.arrive $0xFFFF  }
0x237: {  	p0 =	sne.s32 s0, $0x0;
	s0 =	rddreg [dreg:$0x3]  }
0x238: {  	s0 =	sadd.s32 @!p0 $0x100000, s0  }
0x239: {  	[sflag:s0] =	ssyncadd.tile.s32 @!p0 $0x1;
	_ =	shalt  }
.Lfunc_end2:
_tile_overlayer_lowered:
.L_overlay_start_2:
0x23a: {  	(tag) =	ssettag $0x2  }
0x23b: {  	s0 =	rddreg [dreg:$0x0];
	s2 =	stileid.u32  }
0x23c: {  	s1 =	rddreg [dreg:$0x1];
	p0 =	sne.s32 s2, $0x0  }
0x23d: {  	s3 =	rddreg [dreg:$0x2];
	[bflag:$0x3] =	sbarrier.arrive $0xFFFF;
	s2 =	simm.s32 @!p0 $0x1C05  }
0x23e: {  	[timem:s3], [sflag:s2] =	dma.local @!p0 [hbm:s0], s1  }
0x23f: {  	s0 =	simm.s32 @!p0 $0x5  }
0x240: {  	_ =	swait.ge @!p0 [sflag:s0], s1  }
0x241: {  	s1 =	ssub.s32 @!p0 $0x0, s1;
	[sflag:s0] =	ssyncset.done @!p0 $0x0  }
0x242: {  	[sflag:s0] =	ssyncadd.s32 @!p0 s1  }
0x243: {  	[bflag:$0x3] =	sbarrier.arrive $0xFFFF  }
0x244: {  	_ =	shalt  }

</sc_bundles>
